<compile_context>
chip_gen: v7x
topology: tpu7x:2x2x1
jax: 0.10.2.dev20260603
libtpu: 0.0.44.dev20260713+nightly
codegen_flags: <defaults>
</compile_context>

<pallas_src>
import functools

import jax
import jax.numpy as jnp
import numpy as np
from jax import lax
from jax.experimental import pallas as pl
from jax.experimental.pallas import tpu as pltpu

IN_C = 512
MID_C = 512
N_ANCHOR = 9
FEAT_STRIDE = 16
N_PRE_NMS = 12000
N_POST_NMS = 2000
NMS_THRESH = 0.7
MIN_SIZE = 16.0
H_FEAT = 50
W_FEAT = 50
WP = W_FEAT + 2
SP = H_FEAT * WP
NMS_B = 128
NMS_NB = 94
NMS_N = NMS_B * NMS_NB


def _anchor_base_np(base_size=16, ratios=(0.5, 1.0, 2.0), scales=(8, 16, 32)):
    py = base_size / 2.0
    px = base_size / 2.0
    ab = np.zeros((len(ratios) * len(scales), 4), dtype=np.float32)
    for i, r in enumerate(ratios):
        for j, s in enumerate(scales):
            h = base_size * s * np.sqrt(r)
            w = base_size * s * np.sqrt(1.0 / r)
            k = i * len(scales) + j
            ab[k, 0] = py - h / 2.0
            ab[k, 1] = px - w / 2.0
            ab[k, 2] = py + h / 2.0
            ab[k, 3] = px + w / 2.0
    return ab


def _image_anchors_np(height, width, feat_stride):
    ab = _anchor_base_np()
    shift_y = np.arange(height) * feat_stride
    shift_x = np.arange(width) * feat_stride
    sy, sx = np.meshgrid(shift_y, shift_x, indexing='ij')
    shifts = np.stack([sy.ravel(), sx.ravel(), sy.ravel(), sx.ravel()],
                      axis=1).astype(np.float32)
    return (shifts[:, None, :] + ab[None, :, :]).reshape(-1, 4)


def _trunk_kernel(xp_ref, h1x_ref, w9_ref, b1_ref, sw_ref, sb_ref, lw_ref,
                  lb_ref, sh_ref, sw2_ref, scy_ref, scx_ref, imgf_ref,
                  locs_ref, scores_ref, y1_ref, x1_ref, y2_ref, x2_ref,
                  sc_ref):
    acc = jnp.zeros((MID_C, SP), dtype=jnp.float32)
    for ky in range(3):
        for kx in range(3):
            off = ky * WP + kx
            a = xp_ref[:, off:off + SP]
            acc += jnp.dot(w9_ref[ky * 3 + kx], a,
                           preferred_element_type=jnp.float32)
    h1 = jnp.maximum(acc + b1_ref[:], 0.0)

    locs = jnp.dot(lw_ref[:], h1, preferred_element_type=jnp.float32) \
        + lb_ref[:]
    scores = jnp.dot(sw_ref[:], h1, preferred_element_type=jnp.float32) \
        + sb_ref[:]
    locs_ref[:] = locs
    scores_ref[:] = scores

    locs2 = jnp.dot(lw_ref[:], h1x_ref[:],
                    preferred_element_type=jnp.float32) + lb_ref[:]
    scores2 = jnp.dot(sw_ref[:], h1x_ref[:],
                      preferred_element_type=jnp.float32) + sb_ref[:]

    s0 = scores2[0:N_ANCHOR, :]
    s1 = scores2[N_ANCHOR:2 * N_ANCHOR, :]
    m = jnp.maximum(s0, s1)
    e0 = jnp.exp(s0 - m)
    e1 = jnp.exp(s1 - m)
    fg = e1 / (e0 + e1)

    src_h = sh_ref[:]
    src_w = sw2_ref[:]
    src_cy = scy_ref[:]
    src_cx = scx_ref[:]

    dy = locs2[0:9, :]
    dx = locs2[9:18, :]
    dh = locs2[18:27, :]
    dw = locs2[27:36, :]
    cy = dy * src_h + src_cy
    cx = dx * src_w + src_cx
    h = jnp.exp(dh) * src_h
    w = jnp.exp(dw) * src_w
    imh = imgf_ref[0, 0]
    imw = imgf_ref[0, 1]
    y1 = jnp.clip(cy - 0.5 * h, 0.0, imh)
    y2 = jnp.clip(cy + 0.5 * h, 0.0, imh)
    x1 = jnp.clip(cx - 0.5 * w, 0.0, imw)
    x2 = jnp.clip(cx + 0.5 * w, 0.0, imw)
    col = lax.broadcasted_iota(jnp.int32, (N_ANCHOR, SP), 1)
    xx = col - (col // WP) * WP
    valid = ((y2 - y1) >= MIN_SIZE) & ((x2 - x1) >= MIN_SIZE) & (xx < W_FEAT)
    y1_ref[:] = y1
    x1_ref[:] = x1
    y2_ref[:] = y2
    x2_ref[:] = x2
    sc_ref[:] = jnp.where(valid, fg, -1.0)


def _nms_kernel(y1_ref, x1_ref, y2_ref, x2_ref, sc_ref, bc_ref,
                keep_ref, sup_ref):
    blk = lax.broadcasted_iota(jnp.int32, (NMS_NB, 1, NMS_B), 0)
    lane3 = lax.broadcasted_iota(jnp.int32, (NMS_NB, 1, NMS_B), 2)
    pos = blk * NMS_B + lane3
    sup_ref[:] = jnp.where((sc_ref[:] <= 0.0) | (pos >= N_PRE_NMS), 1.0, 0.0)

    lane_i = lax.broadcasted_iota(jnp.int32, (1, NMS_B), 1)
    ident = (lax.broadcasted_iota(jnp.int32, (NMS_B, NMS_B), 0) ==
             lax.broadcasted_iota(jnp.int32, (NMS_B, NMS_B), 1)
             ).astype(jnp.float32)
    ones_c = jnp.ones((NMS_B, NMS_B), jnp.float32)

    def lanebc01(rowvec):
        return jnp.dot(ident * rowvec, ones_c,
                       preferred_element_type=jnp.float32)

    def block_body(b, kept_count):
        def do_block():
            y1r = y1_ref[b]
            x1r = x1_ref[b]
            y2r = y2_ref[b]
            x2r = x2_ref[b]
            y1c = bc_ref[b, :, 0:1]
            x1c = bc_ref[b, :, 1:2]
            y2c = bc_ref[b, :, 2:3]
            x2c = bc_ref[b, :, 3:4]
            area_r = (y2r - y1r) * (x2r - x1r)
            area_c = (y2c - y1c) * (x2c - x1c)

            yy1 = jnp.maximum(y1c, y1r)
            xx1 = jnp.maximum(x1c, x1r)
            yy2 = jnp.minimum(y2c, y2r)
            xx2 = jnp.minimum(x2c, x2r)
            inter = jnp.maximum(yy2 - yy1, 0.0) * jnp.maximum(xx2 - xx1, 0.0)
            iou = inter / (area_c + area_r - inter + 1e-9)
            tri = (lax.broadcasted_iota(jnp.int32, (NMS_B, NMS_B), 1) >
                   lax.broadcasted_iota(jnp.int32, (NMS_B, NMS_B), 0))
            adj = jnp.where((iou > NMS_THRESH) & tri, 1.0, 0.0)

            sup_row0 = sup_ref[b]

            def intra(i, sup_row):
                onehot = (lane_i == i).astype(jnp.float32)
                alive_i = 1.0 - jnp.sum(sup_row * onehot)
                arow = jnp.dot(onehot, adj,
                               preferred_element_type=jnp.float32)
                return jnp.maximum(sup_row, arow * alive_i)

            sup_row = lax.fori_loop(0, NMS_B, intra, sup_row0)
            sup_ref[b] = sup_row
            alive_c = (1.0 - sup_row)
            albc = lanebc01(alive_c)

            def cross(c, _):
                y1r2 = y1_ref[c]
                x1r2 = x1_ref[c]
                y2r2 = y2_ref[c]
                x2r2 = x2_ref[c]
                area_r2 = (y2r2 - y1r2) * (x2r2 - x1r2)
                yy1b = jnp.maximum(y1c, y1r2)
                xx1b = jnp.maximum(x1c, x1r2)
                yy2b = jnp.minimum(y2c, y2r2)
                xx2b = jnp.minimum(x2c, x2r2)
                interb = jnp.maximum(yy2b - yy1b, 0.0) * \
                    jnp.maximum(xx2b - xx1b, 0.0)
                ioub = interb / (area_c + area_r2 - interb + 1e-9)
                hit = jnp.where(ioub > NMS_THRESH, 1.0, 0.0) * albc
                supc = jnp.max(hit, axis=0, keepdims=True)
                sup_ref[c] = jnp.maximum(sup_ref[c], supc)
                return 0

            lax.fori_loop(b + 1, NMS_NB, cross, 0)
            return kept_count + jnp.sum(alive_c).astype(jnp.int32)

        return lax.cond(kept_count < N_POST_NMS, do_block,
                        lambda: kept_count)

    lax.fori_loop(0, NMS_NB, block_body, jnp.int32(0))
    keep_ref[:] = 1.0 - sup_ref[:]


def kernel(x, img_size, conv1_w, conv1_b, score_w, score_b, loc_w, loc_b):
    n = x.shape[0]
    xp = jnp.pad(x[0], ((0, 0), (1, 1), (1, 1)))
    xp = xp.reshape(IN_C, WP * WP)
    xp = jnp.pad(xp, ((0, 0), (0, SP + 2 * WP + 2 - WP * WP)))
    h1x = jax.nn.relu(
        lax.conv_general_dilated(
            x, conv1_w, (1, 1), ((1, 1), (1, 1)),
            dimension_numbers=('NCHW', 'OIHW', 'NCHW'))
        + conv1_b.reshape(1, -1, 1, 1))
    h1xp = jnp.pad(h1x[0], ((0, 0), (0, 0), (0, 2))).reshape(MID_C, SP)
    w9 = jnp.transpose(conv1_w, (2, 3, 0, 1)).reshape(9, MID_C, IN_C)
    b1 = conv1_b.reshape(MID_C, 1)
    sperm = np.array([2 * a for a in range(9)] + [2 * a + 1 for a in range(9)])
    lperm = np.array([4 * a + k for k in range(4) for a in range(9)])
    sw = score_w[:, :, 0, 0][sperm]
    sb = score_b[sperm].reshape(18, 1)
    lw = loc_w[:, :, 0, 0][lperm]
    lb = loc_b[lperm].reshape(36, 1)
    anch = _image_anchors_np(H_FEAT, W_FEAT, FEAT_STRIDE)
    src_h_f = anch[:, 2] - anch[:, 0]
    src_w_f = anch[:, 3] - anch[:, 1]
    src_cy_f = anch[:, 0] + np.float32(0.5) * src_h_f
    src_cx_f = anch[:, 1] + np.float32(0.5) * src_w_f

    def to_plane(v):
        p = np.zeros((N_ANCHOR, H_FEAT, WP), np.float32)
        p[:, :, :W_FEAT] = v.reshape(H_FEAT, W_FEAT, N_ANCHOR).transpose(
            2, 0, 1)
        p[:, :, W_FEAT:] = 1.0
        return jnp.asarray(p.reshape(N_ANCHOR, SP))

    sh_p = to_plane(src_h_f)
    sw_p2 = to_plane(src_w_f)
    scy_p = to_plane(src_cy_f)
    scx_p = to_plane(src_cx_f)
    imgf = img_size.astype(jnp.float32).reshape(1, 2)

    out_shapes = (
        jax.ShapeDtypeStruct((36, SP), jnp.float32),
        jax.ShapeDtypeStruct((18, SP), jnp.float32),
        jax.ShapeDtypeStruct((9, SP), jnp.float32),
        jax.ShapeDtypeStruct((9, SP), jnp.float32),
        jax.ShapeDtypeStruct((9, SP), jnp.float32),
        jax.ShapeDtypeStruct((9, SP), jnp.float32),
        jax.ShapeDtypeStruct((9, SP), jnp.float32),
    )
    locs_p, scores_p, y1p, x1p, y2p, x2p, scp = pl.pallas_call(
        _trunk_kernel,
        out_shape=out_shapes,
        in_specs=[
            pl.BlockSpec(memory_space=pltpu.VMEM),
            pl.BlockSpec(memory_space=pltpu.VMEM),
            pl.BlockSpec(memory_space=pltpu.VMEM),
            pl.BlockSpec(memory_space=pltpu.VMEM),
            pl.BlockSpec(memory_space=pltpu.VMEM),
            pl.BlockSpec(memory_space=pltpu.VMEM),
            pl.BlockSpec(memory_space=pltpu.VMEM),
            pl.BlockSpec(memory_space=pltpu.VMEM),
            pl.BlockSpec(memory_space=pltpu.VMEM),
            pl.BlockSpec(memory_space=pltpu.VMEM),
            pl.BlockSpec(memory_space=pltpu.VMEM),
            pl.BlockSpec(memory_space=pltpu.VMEM),
            pl.BlockSpec(memory_space=pltpu.SMEM),
        ],
        out_specs=[pl.BlockSpec(memory_space=pltpu.VMEM)] * 7,
    )(xp, h1xp, w9, b1, sw, sb, lw, lb, sh_p, sw_p2, scy_p, scx_p, imgf)

    locs_v = locs_p.reshape(36, H_FEAT, WP)[:, :, :W_FEAT].reshape(36, -1)
    pred_locs = locs_v.reshape(4, 9, H_FEAT * W_FEAT).transpose(2, 1, 0)
    pred_locs = pred_locs.reshape(n, -1, 4)
    scores_v = scores_p.reshape(18, H_FEAT, WP)[:, :, :W_FEAT].reshape(18, -1)
    pred_scores = scores_v.reshape(2, 9, H_FEAT * W_FEAT).transpose(2, 1, 0)
    pred_scores = pred_scores.reshape(n, -1, 2)

    image_anchors = jnp.asarray(
        _image_anchors_np(H_FEAT, W_FEAT, FEAT_STRIDE))
    pl2 = lax.conv_general_dilated(
        h1x, loc_w, (1, 1), ((0, 0), (0, 0)),
        dimension_numbers=('NCHW', 'OIHW', 'NCHW')) \
        + loc_b.reshape(1, -1, 1, 1)
    pl2 = jnp.transpose(pl2, (0, 2, 3, 1)).reshape(n, -1, 4)
    ps2 = lax.conv_general_dilated(
        h1x, score_w, (1, 1), ((0, 0), (0, 0)),
        dimension_numbers=('NCHW', 'OIHW', 'NCHW')) \
        + score_b.reshape(1, -1, 1, 1)
    ps2 = jnp.transpose(ps2, (0, 2, 3, 1))
    soft = jax.nn.softmax(
        ps2.reshape(n, H_FEAT, W_FEAT, N_ANCHOR, 2), axis=4)
    fg = soft[..., 1].reshape(n, -1)[0]
    loc_i = pl2[0]
    anchors = image_anchors
    src_h = anchors[:, 2] - anchors[:, 0]
    src_w = anchors[:, 3] - anchors[:, 1]
    src_cy = anchors[:, 0] + 0.5 * src_h
    src_cx = anchors[:, 1] + 0.5 * src_w
    dy = loc_i[:, 0]
    dx = loc_i[:, 1]
    dh = loc_i[:, 2]
    dw = loc_i[:, 3]
    cy = dy * src_h + src_cy
    cx = dx * src_w + src_cx
    hh = jnp.exp(dh) * src_h
    ww = jnp.exp(dw) * src_w
    roi = jnp.stack([cy - 0.5 * hh, cx - 0.5 * ww,
                     cy + 0.5 * hh, cx + 0.5 * ww], axis=1)
    y1v = jnp.clip(roi[:, 0], 0.0, img_size[0].astype(jnp.float32))
    y2v = jnp.clip(roi[:, 2], 0.0, img_size[0].astype(jnp.float32))
    x1v = jnp.clip(roi[:, 1], 0.0, img_size[1].astype(jnp.float32))
    x2v = jnp.clip(roi[:, 3], 0.0, img_size[1].astype(jnp.float32))
    roi = jnp.stack([y1v, x1v, y2v, x2v], axis=1)
    hgt = roi[:, 2] - roi[:, 0]
    wid = roi[:, 3] - roi[:, 1]
    validv = (hgt >= MIN_SIZE) & (wid >= MIN_SIZE)
    scorev = jnp.where(validv, fg, -1.0)
    order = jnp.argsort(-scorev)[:N_PRE_NMS]
    roi_s = lax.stop_gradient(roi[order])
    sc_s = lax.stop_gradient(scorev[order])
    padn = NMS_N - N_PRE_NMS
    sy1 = jnp.pad(roi_s[:, 0], (0, padn)).reshape(NMS_NB, NMS_B)
    sx1 = jnp.pad(roi_s[:, 1], (0, padn)).reshape(NMS_NB, NMS_B)
    sy2 = jnp.pad(roi_s[:, 2], (0, padn)).reshape(NMS_NB, NMS_B)
    sx2 = jnp.pad(roi_s[:, 3], (0, padn)).reshape(NMS_NB, NMS_B)
    ssc = jnp.pad(sc_s, (0, padn), constant_values=-1.0) \
        .reshape(NMS_NB, NMS_B)

    boxc = jnp.stack([sy1, sx1, sy2, sx2], axis=-1)
    keep = pl.pallas_call(
        _nms_kernel,
        out_shape=jax.ShapeDtypeStruct((NMS_NB, 1, NMS_B), jnp.float32),
        in_specs=[pl.BlockSpec(memory_space=pltpu.VMEM)] * 6,
        out_specs=pl.BlockSpec(memory_space=pltpu.VMEM),
        scratch_shapes=[
            pltpu.VMEM((NMS_NB, 1, NMS_B), jnp.float32),
        ],
    )(sy1.reshape(NMS_NB, 1, NMS_B), sx1.reshape(NMS_NB, 1, NMS_B),
      sy2.reshape(NMS_NB, 1, NMS_B), sx2.reshape(NMS_NB, 1, NMS_B),
      ssc.reshape(NMS_NB, 1, NMS_B), boxc)

    keep_idx = jnp.nonzero(keep.reshape(-1) > 0.5, size=N_POST_NMS,
                           fill_value=0)[0]
    rois = jnp.stack([sy1.reshape(-1)[keep_idx], sx1.reshape(-1)[keep_idx],
                      sy2.reshape(-1)[keep_idx], sx2.reshape(-1)[keep_idx]],
                     axis=1)
    roi_indices = jnp.zeros((N_POST_NMS,), jnp.int32)
    return (pred_locs, pred_scores, rois, roi_indices, image_anchors)

# --- scband reference (transcript-rebuilt; emitter-appended) ---
"""Pipeline reference for scband-region-proposal-network-15839839387737 (READ-ONLY COPY).

The authoritative reference and input builder live on the scoring server;
editing this copy changes nothing except your own understanding.
"""

import jax
import jax.numpy as jnp
import numpy as np
from jax import lax

IN_C = 512
MID_C = 512
N_ANCHOR = 9
FEAT_STRIDE = 16
N_PRE_NMS = 12000
N_POST_NMS = 2000
NMS_THRESH = 0.7
MIN_SIZE = 16.0
H_FEAT = 50
W_FEAT = 50


def _anchor_base(base_size=16, ratios=(0.5, 1.0, 2.0), scales=(8, 16, 32)):
    py = base_size / 2.0
    px = base_size / 2.0
    ab = np.zeros((len(ratios) * len(scales), 4), dtype=np.float32)
    for i, r in enumerate(ratios):
        for j, s in enumerate(scales):
            h = base_size * s * np.sqrt(r)
            w = base_size * s * np.sqrt(1.0 / r)
            k = i * len(scales) + j
            ab[k, 0] = py - h / 2.0
            ab[k, 1] = px - w / 2.0
            ab[k, 2] = py + h / 2.0
            ab[k, 3] = px + w / 2.0
    return ab


def _image_anchors(height, width, feat_stride):
    ab = _anchor_base()
    shift_y = np.arange(height) * feat_stride
    shift_x = np.arange(width) * feat_stride
    sy, sx = np.meshgrid(shift_y, shift_x, indexing='ij')
    shifts = np.stack([sy.ravel(), sx.ravel(), sy.ravel(), sx.ravel()], axis=1).astype(np.float32)
    anchors = (shifts[:, None, :] + ab[None, :, :]).reshape(-1, 4)
    return jnp.asarray(anchors)


def _conv(x, w, b, pad):
    y = lax.conv_general_dilated(x, w, (1, 1), ((pad, pad), (pad, pad)),
                                 dimension_numbers=('NCHW', 'OIHW', 'NCHW'))
    return y + b.reshape(1, -1, 1, 1)


def _decode_bbox(anchors, loc):
    src_h = anchors[:, 2] - anchors[:, 0]
    src_w = anchors[:, 3] - anchors[:, 1]
    src_cy = anchors[:, 0] + 0.5 * src_h
    src_cx = anchors[:, 1] + 0.5 * src_w
    dy = loc[:, 0]
    dx = loc[:, 1]
    dh = loc[:, 2]
    dw = loc[:, 3]
    cy = dy * src_h + src_cy
    cx = dx * src_w + src_cx
    h = jnp.exp(dh) * src_h
    w = jnp.exp(dw) * src_w
    return jnp.stack([cy - 0.5 * h, cx - 0.5 * w, cy + 0.5 * h, cx + 0.5 * w], axis=1)


def _nms_keep(boxes, scores, thresh, max_out):
    # boxes are pre-sorted by score descending; greedy NMS over N boxes.
    N = boxes.shape[0]
    areas = (boxes[:, 2] - boxes[:, 0]) * (boxes[:, 3] - boxes[:, 1])
    idx_range = jnp.arange(N)
    suppressed0 = scores <= 0.0  # boxes invalidated by the min_size filter

    def body(i, suppressed):
        cur_ok = jnp.logical_not(suppressed[i])
        b = boxes[i]
        yy1 = jnp.maximum(b[0], boxes[:, 0])
        xx1 = jnp.maximum(b[1], boxes[:, 1])
        yy2 = jnp.minimum(b[2], boxes[:, 2])
        xx2 = jnp.minimum(b[3], boxes[:, 3])
        inter = jnp.maximum(yy2 - yy1, 0.0) * jnp.maximum(xx2 - xx1, 0.0)
        iou = inter / (areas[i] + areas - inter + 1e-9)
        sup_new = (iou > thresh) & (idx_range > i) & cur_ok
        return suppressed | sup_new

    suppressed = lax.fori_loop(0, N, body, suppressed0)
    keep_mask = jnp.logical_not(suppressed)
    keep = jnp.nonzero(keep_mask, size=max_out, fill_value=0)[0]
    return keep


def _filter_roi(loc_i, fg_i, anchors, img_size):
    roi = _decode_bbox(anchors, loc_i)
    y1 = jnp.clip(roi[:, 0], 0.0, img_size[0].astype(jnp.float32))
    y2 = jnp.clip(roi[:, 2], 0.0, img_size[0].astype(jnp.float32))
    x1 = jnp.clip(roi[:, 1], 0.0, img_size[1].astype(jnp.float32))
    x2 = jnp.clip(roi[:, 3], 0.0, img_size[1].astype(jnp.float32))
    roi = jnp.stack([y1, x1, y2, x2], axis=1)
    hgt = roi[:, 2] - roi[:, 0]
    wid = roi[:, 3] - roi[:, 1]
    valid = (hgt >= MIN_SIZE) & (wid >= MIN_SIZE)
    # emulate the keep-filter by pushing invalid boxes to the bottom of the order
    score = jnp.where(valid, fg_i, -1.0)
    order = jnp.argsort(-score)[:N_PRE_NMS]
    roi_s = roi[order]
    sc_s = score[order]
    keep = _nms_keep(lax.stop_gradient(roi_s), lax.stop_gradient(sc_s), NMS_THRESH, N_POST_NMS)
    return roi_s[keep]


def reference(x, img_size, conv1_w, conv1_b, score_w, score_b, loc_w, loc_b):
    n, _, height, width = x.shape
    image_anchors = _image_anchors(height, width, FEAT_STRIDE)
    h1 = jax.nn.relu(_conv(x, conv1_w, conv1_b, 1))
    pred_locs = _conv(h1, loc_w, loc_b, 0)
    pred_locs = jnp.transpose(pred_locs, (0, 2, 3, 1)).reshape(n, -1, 4)
    pred_scores = _conv(h1, score_w, score_b, 0)
    pred_scores = jnp.transpose(pred_scores, (0, 2, 3, 1))
    soft = jax.nn.softmax(pred_scores.reshape(n, height, width, N_ANCHOR, 2), axis=4)
    pred_fg = soft[..., 1].reshape(n, -1)
    pred_scores = pred_scores.reshape(n, -1, 2)
    rois = []
    roi_indices = []
    for i in range(n):
        r = _filter_roi(pred_locs[i], pred_fg[i], image_anchors, img_size)
        rois.append(r)
        roi_indices.append(jnp.full((r.shape[0],), i, dtype=jnp.int32))
    rois = jnp.concatenate(rois, axis=0)
    roi_indices = jnp.concatenate(roi_indices, axis=0)
    return (pred_locs, pred_scores, rois, roi_indices, image_anchors)


def setup_inputs(seed: int = 0) -> dict:
    key = jax.random.key(seed)
    ks = jax.random.split(key, 6)
    x = jax.random.normal(ks[0], (1, IN_C, H_FEAT, W_FEAT), dtype=jnp.float32)
    img_size = jnp.array([H_FEAT * FEAT_STRIDE, W_FEAT * FEAT_STRIDE], dtype=jnp.int32)
    conv1_w = jax.random.normal(ks[1], (MID_C, IN_C, 3, 3), dtype=jnp.float32) * 0.01
    conv1_b = jnp.zeros((MID_C,), dtype=jnp.float32)
    score_w = jax.random.normal(ks[2], (N_ANCHOR * 2, MID_C, 1, 1), dtype=jnp.float32) * 0.01
    score_b = jnp.zeros((N_ANCHOR * 2,), dtype=jnp.float32)
    loc_w = jax.random.normal(ks[3], (N_ANCHOR * 4, MID_C, 1, 1), dtype=jnp.float32) * 0.01
    loc_b = jnp.zeros((N_ANCHOR * 4,), dtype=jnp.float32)
    return {'x': x, 'img_size': img_size, 'conv1_w': conv1_w, 'conv1_b': conv1_b,
            'score_w': score_w, 'score_b': score_b, 'loc_w': loc_w, 'loc_b': loc_b}

if __name__ == "__main__":
    import jax
    _d = setup_inputs()
    print(jax.jit(kernel)(*tuple(_d.values())))

</pallas_src>

<mosaic_0001>
module attributes {stable_mosaic.version = 14 : i64} {
  func.func @_trunk_kernel(%arg0: memref<512x2706xf32, #tpu.memory_space<vmem>>, %arg1: memref<512x2600xf32, #tpu.memory_space<vmem>>, %arg2: memref<9x512x512xf32, #tpu.memory_space<vmem>>, %arg3: memref<512x1xf32, #tpu.memory_space<vmem>>, %arg4: memref<18x512xf32, #tpu.memory_space<vmem>>, %arg5: memref<18x1xf32, #tpu.memory_space<vmem>>, %arg6: memref<36x512xf32, #tpu.memory_space<vmem>>, %arg7: memref<36x1xf32, #tpu.memory_space<vmem>>, %arg8: memref<9x2600xf32, #tpu.memory_space<vmem>>, %arg9: memref<9x2600xf32, #tpu.memory_space<vmem>>, %arg10: memref<9x2600xf32, #tpu.memory_space<vmem>>, %arg11: memref<9x2600xf32, #tpu.memory_space<vmem>>, %arg12: memref<1x2xf32, #tpu.memory_space<smem>>, %arg13: memref<36x2600xf32, #tpu.memory_space<vmem>>, %arg14: memref<18x2600xf32, #tpu.memory_space<vmem>>, %arg15: memref<9x2600xf32, #tpu.memory_space<vmem>>, %arg16: memref<9x2600xf32, #tpu.memory_space<vmem>>, %arg17: memref<9x2600xf32, #tpu.memory_space<vmem>>, %arg18: memref<9x2600xf32, #tpu.memory_space<vmem>>, %arg19: memref<9x2600xf32, #tpu.memory_space<vmem>>) attributes {dimension_semantics = [], scalar_prefetch = 0 : i64, scratch_operands = 0 : i64, tpu.core_type = #tpu.core_type<tc>} {
    %broadcast_in_dim3A = arith.constant 0.000000e+00 : f32
    %broadcast_in_dim3A_0 = vector.broadcast %broadcast_in_dim3A : f32 to vector<512x2600xf32>
    %get3A = arith.constant 0 : index
    %get3A_1 = arith.constant 0 : index
    %get3A_2 = vector.load %arg0[%get3A, %get3A_1] : memref<512x2706xf32, #tpu.memory_space<vmem>>, vector<512x2600xf32>
    %get3A_3 = arith.constant 0 : index
    %get3A_4 = arith.constant 0 : index
    %get3A_5 = arith.constant 0 : index
    %get3A_6 = vector.load %arg2[%get3A_3, %get3A_4, %get3A_5] : memref<9x512x512xf32, #tpu.memory_space<vmem>>, vector<1x512x512xf32>
    %get3A_7 = vector.shape_cast %get3A_6 : vector<1x512x512xf32> to vector<512x512xf32>
    %dot_general3A = arith.constant dense<0.000000e+00> : vector<512x2600xf32>
    %dot_general3A_8 = tpu.matmul %get3A_7, %get3A_2, %dot_general3A {dimension_numbers = #tpu.dot_dimension_numbers<[1], [0], [0], [1], [0, 0, 1, 1], [], []>, transpose_lhs_hint = false} : vector<512x512xf32>, vector<512x2600xf32>, vector<512x2600xf32> -> vector<512x2600xf32>
    %add3A = arith.addf %broadcast_in_dim3A_0, %dot_general3A_8 : vector<512x2600xf32>
    %get3A_9 = arith.constant 0 : index
    %get3A_10 = arith.constant 1 : index
    %get3A_11 = vector.load %arg0[%get3A_9, %get3A_10] : memref<512x2706xf32, #tpu.memory_space<vmem>>, vector<512x2600xf32>
    %get3A_12 = arith.constant 1 : index
    %get3A_13 = arith.constant 0 : index
    %get3A_14 = arith.constant 0 : index
    %get3A_15 = vector.load %arg2[%get3A_12, %get3A_13, %get3A_14] : memref<9x512x512xf32, #tpu.memory_space<vmem>>, vector<1x512x512xf32>
    %get3A_16 = vector.shape_cast %get3A_15 : vector<1x512x512xf32> to vector<512x512xf32>
    %dot_general3A_17 = arith.constant dense<0.000000e+00> : vector<512x2600xf32>
    %dot_general3A_18 = tpu.matmul %get3A_16, %get3A_11, %dot_general3A_17 {dimension_numbers = #tpu.dot_dimension_numbers<[1], [0], [0], [1], [0, 0, 1, 1], [], []>, transpose_lhs_hint = false} : vector<512x512xf32>, vector<512x2600xf32>, vector<512x2600xf32> -> vector<512x2600xf32>
    %add3A_19 = arith.addf %add3A, %dot_general3A_18 : vector<512x2600xf32>
    %get3A_20 = arith.constant 0 : index
    %get3A_21 = arith.constant 2 : index
    %get3A_22 = vector.load %arg0[%get3A_20, %get3A_21] : memref<512x2706xf32, #tpu.memory_space<vmem>>, vector<512x2600xf32>
    %get3A_23 = arith.constant 2 : index
    %get3A_24 = arith.constant 0 : index
    %get3A_25 = arith.constant 0 : index
    %get3A_26 = vector.load %arg2[%get3A_23, %get3A_24, %get3A_25] : memref<9x512x512xf32, #tpu.memory_space<vmem>>, vector<1x512x512xf32>
    %get3A_27 = vector.shape_cast %get3A_26 : vector<1x512x512xf32> to vector<512x512xf32>
    %dot_general3A_28 = arith.constant dense<0.000000e+00> : vector<512x2600xf32>
    %dot_general3A_29 = tpu.matmul %get3A_27, %get3A_22, %dot_general3A_28 {dimension_numbers = #tpu.dot_dimension_numbers<[1], [0], [0], [1], [0, 0, 1, 1], [], []>, transpose_lhs_hint = false} : vector<512x512xf32>, vector<512x2600xf32>, vector<512x2600xf32> -> vector<512x2600xf32>
    %add3A_30 = arith.addf %add3A_19, %dot_general3A_29 : vector<512x2600xf32>
    %get3A_31 = arith.constant 0 : index
    %get3A_32 = arith.constant 52 : index
    %get3A_33 = vector.load %arg0[%get3A_31, %get3A_32] : memref<512x2706xf32, #tpu.memory_space<vmem>>, vector<512x2600xf32>
    %get3A_34 = arith.constant 3 : index
    %get3A_35 = arith.constant 0 : index
    %get3A_36 = arith.constant 0 : index
    %get3A_37 = vector.load %arg2[%get3A_34, %get3A_35, %get3A_36] : memref<9x512x512xf32, #tpu.memory_space<vmem>>, vector<1x512x512xf32>
    %get3A_38 = vector.shape_cast %get3A_37 : vector<1x512x512xf32> to vector<512x512xf32>
    %dot_general3A_39 = arith.constant dense<0.000000e+00> : vector<512x2600xf32>
    %dot_general3A_40 = tpu.matmul %get3A_38, %get3A_33, %dot_general3A_39 {dimension_numbers = #tpu.dot_dimension_numbers<[1], [0], [0], [1], [0, 0, 1, 1], [], []>, transpose_lhs_hint = false} : vector<512x512xf32>, vector<512x2600xf32>, vector<512x2600xf32> -> vector<512x2600xf32>
    %add3A_41 = arith.addf %add3A_30, %dot_general3A_40 : vector<512x2600xf32>
    %get3A_42 = arith.constant 0 : index
    %get3A_43 = arith.constant 53 : index
    %get3A_44 = vector.load %arg0[%get3A_42, %get3A_43] : memref<512x2706xf32, #tpu.memory_space<vmem>>, vector<512x2600xf32>
    %get3A_45 = arith.constant 4 : index
    %get3A_46 = arith.constant 0 : index
    %get3A_47 = arith.constant 0 : index
    %get3A_48 = vector.load %arg2[%get3A_45, %get3A_46, %get3A_47] : memref<9x512x512xf32, #tpu.memory_space<vmem>>, vector<1x512x512xf32>
    %get3A_49 = vector.shape_cast %get3A_48 : vector<1x512x512xf32> to vector<512x512xf32>
    %dot_general3A_50 = arith.constant dense<0.000000e+00> : vector<512x2600xf32>
    %dot_general3A_51 = tpu.matmul %get3A_49, %get3A_44, %dot_general3A_50 {dimension_numbers = #tpu.dot_dimension_numbers<[1], [0], [0], [1], [0, 0, 1, 1], [], []>, transpose_lhs_hint = false} : vector<512x512xf32>, vector<512x2600xf32>, vector<512x2600xf32> -> vector<512x2600xf32>
    %add3A_52 = arith.addf %add3A_41, %dot_general3A_51 : vector<512x2600xf32>
    %get3A_53 = arith.constant 0 : index
    %get3A_54 = arith.constant 54 : index
    %get3A_55 = vector.load %arg0[%get3A_53, %get3A_54] : memref<512x2706xf32, #tpu.memory_space<vmem>>, vector<512x2600xf32>
    %get3A_56 = arith.constant 5 : index
    %get3A_57 = arith.constant 0 : index
    %get3A_58 = arith.constant 0 : index
    %get3A_59 = vector.load %arg2[%get3A_56, %get3A_57, %get3A_58] : memref<9x512x512xf32, #tpu.memory_space<vmem>>, vector<1x512x512xf32>
    %get3A_60 = vector.shape_cast %get3A_59 : vector<1x512x512xf32> to vector<512x512xf32>
    %dot_general3A_61 = arith.constant dense<0.000000e+00> : vector<512x2600xf32>
    %dot_general3A_62 = tpu.matmul %get3A_60, %get3A_55, %dot_general3A_61 {dimension_numbers = #tpu.dot_dimension_numbers<[1], [0], [0], [1], [0, 0, 1, 1], [], []>, transpose_lhs_hint = false} : vector<512x512xf32>, vector<512x2600xf32>, vector<512x2600xf32> -> vector<512x2600xf32>
    %add3A_63 = arith.addf %add3A_52, %dot_general3A_62 : vector<512x2600xf32>
    %get3A_64 = arith.constant 0 : index
    %get3A_65 = arith.constant 104 : index
    %get3A_66 = vector.load %arg0[%get3A_64, %get3A_65] : memref<512x2706xf32, #tpu.memory_space<vmem>>, vector<512x2600xf32>
    %get3A_67 = arith.constant 6 : index
    %get3A_68 = arith.constant 0 : index
    %get3A_69 = arith.constant 0 : index
    %get3A_70 = vector.load %arg2[%get3A_67, %get3A_68, %get3A_69] : memref<9x512x512xf32, #tpu.memory_space<vmem>>, vector<1x512x512xf32>
    %get3A_71 = vector.shape_cast %get3A_70 : vector<1x512x512xf32> to vector<512x512xf32>
    %dot_general3A_72 = arith.constant dense<0.000000e+00> : vector<512x2600xf32>
    %dot_general3A_73 = tpu.matmul %get3A_71, %get3A_66, %dot_general3A_72 {dimension_numbers = #tpu.dot_dimension_numbers<[1], [0], [0], [1], [0, 0, 1, 1], [], []>, transpose_lhs_hint = false} : vector<512x512xf32>, vector<512x2600xf32>, vector<512x2600xf32> -> vector<512x2600xf32>
    %add3A_74 = arith.addf %add3A_63, %dot_general3A_73 : vector<512x2600xf32>
    %get3A_75 = arith.constant 0 : index
    %get3A_76 = arith.constant 105 : index
    %get3A_77 = vector.load %arg0[%get3A_75, %get3A_76] : memref<512x2706xf32, #tpu.memory_space<vmem>>, vector<512x2600xf32>
    %get3A_78 = arith.constant 7 : index
    %get3A_79 = arith.constant 0 : index
    %get3A_80 = arith.constant 0 : index
    %get3A_81 = vector.load %arg2[%get3A_78, %get3A_79, %get3A_80] : memref<9x512x512xf32, #tpu.memory_space<vmem>>, vector<1x512x512xf32>
    %get3A_82 = vector.shape_cast %get3A_81 : vector<1x512x512xf32> to vector<512x512xf32>
    %dot_general3A_83 = arith.constant dense<0.000000e+00> : vector<512x2600xf32>
    %dot_general3A_84 = tpu.matmul %get3A_82, %get3A_77, %dot_general3A_83 {dimension_numbers = #tpu.dot_dimension_numbers<[1], [0], [0], [1], [0, 0, 1, 1], [], []>, transpose_lhs_hint = false} : vector<512x512xf32>, vector<512x2600xf32>, vector<512x2600xf32> -> vector<512x2600xf32>
    %add3A_85 = arith.addf %add3A_74, %dot_general3A_84 : vector<512x2600xf32>
    %get3A_86 = arith.constant 0 : index
    %get3A_87 = arith.constant 106 : index
    %get3A_88 = vector.load %arg0[%get3A_86, %get3A_87] : memref<512x2706xf32, #tpu.memory_space<vmem>>, vector<512x2600xf32>
    %get3A_89 = arith.constant 8 : index
    %get3A_90 = arith.constant 0 : index
    %get3A_91 = arith.constant 0 : index
    %get3A_92 = vector.load %arg2[%get3A_89, %get3A_90, %get3A_91] : memref<9x512x512xf32, #tpu.memory_space<vmem>>, vector<1x512x512xf32>
    %get3A_93 = vector.shape_cast %get3A_92 : vector<1x512x512xf32> to vector<512x512xf32>
    %dot_general3A_94 = arith.constant dense<0.000000e+00> : vector<512x2600xf32>
    %dot_general3A_95 = tpu.matmul %get3A_93, %get3A_88, %dot_general3A_94 {dimension_numbers = #tpu.dot_dimension_numbers<[1], [0], [0], [1], [0, 0, 1, 1], [], []>, transpose_lhs_hint = false} : vector<512x512xf32>, vector<512x2600xf32>, vector<512x2600xf32> -> vector<512x2600xf32>
    %add3A_96 = arith.addf %add3A_85, %dot_general3A_95 : vector<512x2600xf32>
    %get3A_97 = arith.constant 0 : index
    %get3A_98 = arith.constant 0 : index
    %get3A_99 = vector.load %arg3[%get3A_97, %get3A_98] : memref<512x1xf32, #tpu.memory_space<vmem>>, vector<512x1xf32>
    %add3A_100 = vector.broadcast %get3A_99 : vector<512x1xf32> to vector<512x2600xf32>
    %add3A_101 = arith.addf %add3A_96, %add3A_100 : vector<512x2600xf32>
    %max3A = arith.constant 0.000000e+00 : f32
    %max3A_102 = vector.broadcast %max3A : f32 to vector<512x2600xf32>
    %max3A_103 = arith.maximumf %add3A_101, %max3A_102 : vector<512x2600xf32>
    %get3A_104 = arith.constant 0 : index
    %get3A_105 = arith.constant 0 : index
    %get3A_106 = vector.load %arg6[%get3A_104, %get3A_105] : memref<36x512xf32, #tpu.memory_space<vmem>>, vector<36x512xf32>
    %dot_general3A_107 = arith.constant dense<0.000000e+00> : vector<36x2600xf32>
    %dot_general3A_108 = tpu.matmul %get3A_106, %max3A_103, %dot_general3A_107 {dimension_numbers = #tpu.dot_dimension_numbers<[1], [0], [0], [1], [0, 0, 1, 1], [], []>, transpose_lhs_hint = false} : vector<36x512xf32>, vector<512x2600xf32>, vector<36x2600xf32> -> vector<36x2600xf32>
    %get3A_109 = arith.constant 0 : index
    %get3A_110 = arith.constant 0 : index
    %get3A_111 = vector.load %arg7[%get3A_109, %get3A_110] : memref<36x1xf32, #tpu.memory_space<vmem>>, vector<36x1xf32>
    %add3A_112 = vector.broadcast %get3A_111 : vector<36x1xf32> to vector<36x2600xf32>
    %add3A_113 = arith.addf %dot_general3A_108, %add3A_112 : vector<36x2600xf32>
    %get3A_114 = arith.constant 0 : index
    %get3A_115 = arith.constant 0 : index
    %get3A_116 = vector.load %arg4[%get3A_114, %get3A_115] : memref<18x512xf32, #tpu.memory_space<vmem>>, vector<18x512xf32>
    %dot_general3A_117 = arith.constant dense<0.000000e+00> : vector<18x2600xf32>
    %dot_general3A_118 = tpu.matmul %get3A_116, %max3A_103, %dot_general3A_117 {dimension_numbers = #tpu.dot_dimension_numbers<[1], [0], [0], [1], [0, 0, 1, 1], [], []>, transpose_lhs_hint = false} : vector<18x512xf32>, vector<512x2600xf32>, vector<18x2600xf32> -> vector<18x2600xf32>
    %get3A_119 = arith.constant 0 : index
    %get3A_120 = arith.constant 0 : index
    %get3A_121 = vector.load %arg5[%get3A_119, %get3A_120] : memref<18x1xf32, #tpu.memory_space<vmem>>, vector<18x1xf32>
    %add3A_122 = vector.broadcast %get3A_121 : vector<18x1xf32> to vector<18x2600xf32>
    %add3A_123 = arith.addf %dot_general3A_118, %add3A_122 : vector<18x2600xf32>
    %swap3A = arith.constant 0 : index
    %swap3A_124 = arith.constant 0 : index
    %swap3A_125 = vector.load %arg13[%swap3A, %swap3A_124] : memref<36x2600xf32, #tpu.memory_space<vmem>>, vector<36x2600xf32>
    tpu.vector_store %arg13[%swap3A, %swap3A_124], %add3A_113 {strides = array<i32>} : memref<36x2600xf32, #tpu.memory_space<vmem>>, vector<36x2600xf32>,
    %swap3A_126 = arith.constant 0 : index
    %swap3A_127 = arith.constant 0 : index
    %swap3A_128 = vector.load %arg14[%swap3A_126, %swap3A_127] : memref<18x2600xf32, #tpu.memory_space<vmem>>, vector<18x2600xf32>
    tpu.vector_store %arg14[%swap3A_126, %swap3A_127], %add3A_123 {strides = array<i32>} : memref<18x2600xf32, #tpu.memory_space<vmem>>, vector<18x2600xf32>,
    %get3A_129 = arith.constant 0 : index
    %get3A_130 = arith.constant 0 : index
    %get3A_131 = vector.load %arg6[%get3A_129, %get3A_130] : memref<36x512xf32, #tpu.memory_space<vmem>>, vector<36x512xf32>
    %get3A_132 = arith.constant 0 : index
    %get3A_133 = arith.constant 0 : index
    %get3A_134 = vector.load %arg1[%get3A_132, %get3A_133] : memref<512x2600xf32, #tpu.memory_space<vmem>>, vector<512x2600xf32>
    %dot_general3A_135 = arith.constant dense<0.000000e+00> : vector<36x2600xf32>
    %dot_general3A_136 = tpu.matmul %get3A_131, %get3A_134, %dot_general3A_135 {dimension_numbers = #tpu.dot_dimension_numbers<[1], [0], [0], [1], [0, 0, 1, 1], [], []>, transpose_lhs_hint = false} : vector<36x512xf32>, vector<512x2600xf32>, vector<36x2600xf32> -> vector<36x2600xf32>
    %get3A_137 = arith.constant 0 : index
    %get3A_138 = arith.constant 0 : index
    %get3A_139 = vector.load %arg7[%get3A_137, %get3A_138] : memref<36x1xf32, #tpu.memory_space<vmem>>, vector<36x1xf32>
    %add3A_140 = vector.broadcast %get3A_139 : vector<36x1xf32> to vector<36x2600xf32>
    %add3A_141 = arith.addf %dot_general3A_136, %add3A_140 : vector<36x2600xf32>
    %get3A_142 = arith.constant 0 : index
    %get3A_143 = arith.constant 0 : index
    %get3A_144 = vector.load %arg4[%get3A_142, %get3A_143] : memref<18x512xf32, #tpu.memory_space<vmem>>, vector<18x512xf32>
    %get3A_145 = arith.constant 0 : index
    %get3A_146 = arith.constant 0 : index
    %get3A_147 = vector.load %arg1[%get3A_145, %get3A_146] : memref<512x2600xf32, #tpu.memory_space<vmem>>, vector<512x2600xf32>
    %dot_general3A_148 = arith.constant dense<0.000000e+00> : vector<18x2600xf32>
    %dot_general3A_149 = tpu.matmul %get3A_144, %get3A_147, %dot_general3A_148 {dimension_numbers = #tpu.dot_dimension_numbers<[1], [0], [0], [1], [0, 0, 1, 1], [], []>, transpose_lhs_hint = false} : vector<18x512xf32>, vector<512x2600xf32>, vector<18x2600xf32> -> vector<18x2600xf32>
    %get3A_150 = arith.constant 0 : index
    %get3A_151 = arith.constant 0 : index
    %get3A_152 = vector.load %arg5[%get3A_150, %get3A_151] : memref<18x1xf32, #tpu.memory_space<vmem>>, vector<18x1xf32>
    %add3A_153 = vector.broadcast %get3A_152 : vector<18x1xf32> to vector<18x2600xf32>
    %add3A_154 = arith.addf %dot_general3A_149, %add3A_153 : vector<18x2600xf32>
    %slice3A = vector.extract_strided_slice %add3A_154 {offsets = [0, 0], sizes = [9, 2600], strides = [1, 1]} : vector<18x2600xf32> to vector<9x2600xf32>
    %slice3A_155 = vector.extract_strided_slice %add3A_154 {offsets = [9, 0], sizes = [9, 2600], strides = [1, 1]} : vector<18x2600xf32> to vector<9x2600xf32>
    %max3A_156 = arith.maximumf %slice3A, %slice3A_155 : vector<9x2600xf32>
    %sub3A = arith.subf %slice3A, %max3A_156 : vector<9x2600xf32>
    %exp3A = math.exp %sub3A : vector<9x2600xf32>
    %sub3A_157 = arith.subf %slice3A_155, %max3A_156 : vector<9x2600xf32>
    %exp3A_158 = math.exp %sub3A_157 : vector<9x2600xf32>
    %add3A_159 = arith.addf %exp3A, %exp3A_158 : vector<9x2600xf32>
    %div3A = arith.divf %exp3A_158, %add3A_159 : vector<9x2600xf32>
    %get3A_160 = arith.constant 0 : index
    %get3A_161 = arith.constant 0 : index
    %get3A_162 = vector.load %arg8[%get3A_160, %get3A_161] : memref<9x2600xf32, #tpu.memory_space<vmem>>, vector<9x2600xf32>
    %get3A_163 = arith.constant 0 : index
    %get3A_164 = arith.constant 0 : index
    %get3A_165 = vector.load %arg9[%get3A_163, %get3A_164] : memref<9x2600xf32, #tpu.memory_space<vmem>>, vector<9x2600xf32>
    %get3A_166 = arith.constant 0 : index
    %get3A_167 = arith.constant 0 : index
    %get3A_168 = vector.load %arg10[%get3A_166, %get3A_167] : memref<9x2600xf32, #tpu.memory_space<vmem>>, vector<9x2600xf32>
    %get3A_169 = arith.constant 0 : index
    %get3A_170 = arith.constant 0 : index
    %get3A_171 = vector.load %arg11[%get3A_169, %get3A_170] : memref<9x2600xf32, #tpu.memory_space<vmem>>, vector<9x2600xf32>
    %slice3A_172 = vector.extract_strided_slice %add3A_141 {offsets = [0, 0], sizes = [9, 2600], strides = [1, 1]} : vector<36x2600xf32> to vector<9x2600xf32>
    %slice3A_173 = vector.extract_strided_slice %add3A_141 {offsets = [9, 0], sizes = [9, 2600], strides = [1, 1]} : vector<36x2600xf32> to vector<9x2600xf32>
    %slice3A_174 = vector.extract_strided_slice %add3A_141 {offsets = [18, 0], sizes = [9, 2600], strides = [1, 1]} : vector<36x2600xf32> to vector<9x2600xf32>
    %slice3A_175 = vector.extract_strided_slice %add3A_141 {offsets = [27, 0], sizes = [9, 2600], strides = [1, 1]} : vector<36x2600xf32> to vector<9x2600xf32>
    %mul3A = arith.mulf %slice3A_172, %get3A_162 : vector<9x2600xf32>
    %add3A_176 = arith.addf %mul3A, %get3A_168 : vector<9x2600xf32>
    %mul3A_177 = arith.mulf %slice3A_173, %get3A_165 : vector<9x2600xf32>
    %add3A_178 = arith.addf %mul3A_177, %get3A_171 : vector<9x2600xf32>
    %exp3A_179 = math.exp %slice3A_174 : vector<9x2600xf32>
    %mul3A_180 = arith.mulf %exp3A_179, %get3A_162 : vector<9x2600xf32>
    %exp3A_181 = math.exp %slice3A_175 : vector<9x2600xf32>
    %mul3A_182 = arith.mulf %exp3A_181, %get3A_165 : vector<9x2600xf32>
    %get3A_183 = arith.constant 0 : index
    %get3A_184 = arith.constant 0 : index
    %get3A_185 = memref.load %arg12[%get3A_183, %get3A_184] : memref<1x2xf32, #tpu.memory_space<smem>>
    %get3A_186 = arith.constant 0 : index
    %get3A_187 = arith.constant 1 : index
    %get3A_188 = memref.load %arg12[%get3A_186, %get3A_187] : memref<1x2xf32, #tpu.memory_space<smem>>
    %mul3A_189 = arith.constant 5.000000e-01 : f32
    %mul3A_190 = vector.broadcast %mul3A_189 : f32 to vector<9x2600xf32>
    %mul3A_191 = arith.mulf %mul3A_190, %mul3A_180 : vector<9x2600xf32>
    %sub3A_192 = arith.subf %add3A_176, %mul3A_191 : vector<9x2600xf32>
    %jit3A = arith.constant 0.000000e+00 : f32
    %max3A_193 = vector.broadcast %jit3A : f32 to vector<9x2600xf32>
    %max3A_194 = arith.maximumf %max3A_193, %sub3A_192 : vector<9x2600xf32>
    %min3A = vector.broadcast %get3A_185 : f32 to vector<9x2600xf32>
    %min3A_195 = arith.minimumf %min3A, %max3A_194 : vector<9x2600xf32>
    %mul3A_196 = arith.constant 5.000000e-01 : f32
    %mul3A_197 = vector.broadcast %mul3A_196 : f32 to vector<9x2600xf32>
    %mul3A_198 = arith.mulf %mul3A_197, %mul3A_180 : vector<9x2600xf32>
    %add3A_199 = arith.addf %add3A_176, %mul3A_198 : vector<9x2600xf32>
    %jit3A_200 = arith.constant 0.000000e+00 : f32
    %max3A_201 = vector.broadcast %jit3A_200 : f32 to vector<9x2600xf32>
    %max3A_202 = arith.maximumf %max3A_201, %add3A_199 : vector<9x2600xf32>
    %min3A_203 = vector.broadcast %get3A_185 : f32 to vector<9x2600xf32>
    %min3A_204 = arith.minimumf %min3A_203, %max3A_202 : vector<9x2600xf32>
    %mul3A_205 = arith.constant 5.000000e-01 : f32
    %mul3A_206 = vector.broadcast %mul3A_205 : f32 to vector<9x2600xf32>
    %mul3A_207 = arith.mulf %mul3A_206, %mul3A_182 : vector<9x2600xf32>
    %sub3A_208 = arith.subf %add3A_178, %mul3A_207 : vector<9x2600xf32>
    %jit3A_209 = arith.constant 0.000000e+00 : f32
    %max3A_210 = vector.broadcast %jit3A_209 : f32 to vector<9x2600xf32>
    %max3A_211 = arith.maximumf %max3A_210, %sub3A_208 : vector<9x2600xf32>
    %min3A_212 = vector.broadcast %get3A_188 : f32 to vector<9x2600xf32>
    %min3A_213 = arith.minimumf %min3A_212, %max3A_211 : vector<9x2600xf32>
    %mul3A_214 = arith.constant 5.000000e-01 : f32
    %mul3A_215 = vector.broadcast %mul3A_214 : f32 to vector<9x2600xf32>
    %mul3A_216 = arith.mulf %mul3A_215, %mul3A_182 : vector<9x2600xf32>
    %add3A_217 = arith.addf %add3A_178, %mul3A_216 : vector<9x2600xf32>
    %jit3A_218 = arith.constant 0.000000e+00 : f32
    %max3A_219 = vector.broadcast %jit3A_218 : f32 to vector<9x2600xf32>
    %max3A_220 = arith.maximumf %max3A_219, %add3A_217 : vector<9x2600xf32>
    %min3A_221 = vector.broadcast %get3A_188 : f32 to vector<9x2600xf32>
    %min3A_222 = arith.minimumf %min3A_221, %max3A_220 : vector<9x2600xf32>
    %iota3A = tpu.iota {dimensions = array<i32: 1>} : vector<9x2600xi32>
    %jit3A_223 = arith.constant 52 : i32
    %div3A_224 = vector.broadcast %jit3A_223 : i32 to vector<9x2600xi32>
    %div3A_225 = arith.divsi %iota3A, %div3A_224 : vector<9x2600xi32>
    %sign3A = arith.constant 0 : i32
    %sign3A_226 = vector.broadcast %sign3A : i32 to vector<9x2600xi32>
    %sign3A_227 = arith.cmpi sgt, %iota3A, %sign3A_226 : vector<9x2600xi32>
    %sign3A_228 = arith.extui %sign3A_227 : vector<9x2600xi1> to vector<9x2600xi32>
    %sign3A_229 = arith.constant 0 : i32
    %sign3A_230 = vector.broadcast %sign3A_229 : i32 to vector<9x2600xi32>
    %sign3A_231 = arith.cmpi slt, %iota3A, %sign3A_230 : vector<9x2600xi32>
    %sign3A_232 = arith.extui %sign3A_231 : vector<9x2600xi1> to vector<9x2600xi32>
    %sign3A_233 = arith.subi %sign3A_228, %sign3A_232 : vector<9x2600xi32>
    %sign3A_234 = arith.constant 0 : i32
    %sign3A_235 = arith.cmpi sgt, %jit3A_223, %sign3A_234 : i32
    %sign3A_236 = arith.extui %sign3A_235 : i1 to i32
    %sign3A_237 = arith.constant 0 : i32
    %sign3A_238 = arith.cmpi slt, %jit3A_223, %sign3A_237 : i32
    %sign3A_239 = arith.extui %sign3A_238 : i1 to i32
    %sign3A_240 = arith.subi %sign3A_236, %sign3A_239 : i32
    %ne3A = vector.broadcast %sign3A_240 : i32 to vector<9x2600xi32>
    %ne3A_241 = arith.cmpi ne, %sign3A_233, %ne3A : vector<9x2600xi32>
    %rem3A = vector.broadcast %jit3A_223 : i32 to vector<9x2600xi32>
    %rem3A_242 = arith.remsi %iota3A, %rem3A : vector<9x2600xi32>
    %ne3A_243 = arith.constant 0 : i32
    %ne3A_244 = vector.broadcast %ne3A_243 : i32 to vector<9x2600xi32>
    %ne3A_245 = arith.cmpi ne, %rem3A_242, %ne3A_244 : vector<9x2600xi32>
    %and3A = arith.andi %ne3A_241, %ne3A_245 : vector<9x2600xi1>
    %sub3A_246 = arith.constant 1 : i32
    %sub3A_247 = vector.broadcast %sub3A_246 : i32 to vector<9x2600xi32>
    %sub3A_248 = arith.subi %div3A_225, %sub3A_247 : vector<9x2600xi32>
    %select_n3A = arith.select %and3A, %sub3A_248, %div3A_225 : vector<9x2600xi1>, vector<9x2600xi32>
    %mul3A_249 = arith.constant 52 : i32
    %mul3A_250 = vector.broadcast %mul3A_249 : i32 to vector<9x2600xi32>
    %mul3A_251 = arith.muli %select_n3A, %mul3A_250 : vector<9x2600xi32>
    %sub3A_252 = arith.subi %iota3A, %mul3A_251 : vector<9x2600xi32>
    %sub3A_253 = arith.subf %min3A_204, %min3A_195 : vector<9x2600xf32>
    %ge3A = arith.constant 1.600000e+01 : f32
    %ge3A_254 = vector.broadcast %ge3A : f32 to vector<9x2600xf32>
    %ge3A_255 = arith.cmpf oge, %sub3A_253, %ge3A_254 : vector<9x2600xf32>
    %sub3A_256 = arith.subf %min3A_222, %min3A_213 : vector<9x2600xf32>
    %ge3A_257 = arith.constant 1.600000e+01 : f32
    %ge3A_258 = vector.broadcast %ge3A_257 : f32 to vector<9x2600xf32>
    %ge3A_259 = arith.cmpf oge, %sub3A_256, %ge3A_258 : vector<9x2600xf32>
    %and3A_260 = arith.andi %ge3A_255, %ge3A_259 : vector<9x2600xi1>
    %lt3A = arith.constant 50 : i32
    %lt3A_261 = vector.broadcast %lt3A : i32 to vector<9x2600xi32>
    %lt3A_262 = arith.cmpi slt, %sub3A_252, %lt3A_261 : vector<9x2600xi32>
    %and3A_263 = arith.andi %and3A_260, %lt3A_262 : vector<9x2600xi1>
    %swap3A_264 = arith.constant 0 : index
    %swap3A_265 = arith.constant 0 : index
    %swap3A_266 = vector.load %arg15[%swap3A_264, %swap3A_265] : memref<9x2600xf32, #tpu.memory_space<vmem>>, vector<9x2600xf32>
    tpu.vector_store %arg15[%swap3A_264, %swap3A_265], %min3A_195 {strides = array<i32>} : memref<9x2600xf32, #tpu.memory_space<vmem>>, vector<9x2600xf32>,
    %swap3A_267 = arith.constant 0 : index
    %swap3A_268 = arith.constant 0 : index
    %swap3A_269 = vector.load %arg16[%swap3A_267, %swap3A_268] : memref<9x2600xf32, #tpu.memory_space<vmem>>, vector<9x2600xf32>
    tpu.vector_store %arg16[%swap3A_267, %swap3A_268], %min3A_213 {strides = array<i32>} : memref<9x2600xf32, #tpu.memory_space<vmem>>, vector<9x2600xf32>,
    %swap3A_270 = arith.constant 0 : index
    %swap3A_271 = arith.constant 0 : index
    %swap3A_272 = vector.load %arg17[%swap3A_270, %swap3A_271] : memref<9x2600xf32, #tpu.memory_space<vmem>>, vector<9x2600xf32>
    tpu.vector_store %arg17[%swap3A_270, %swap3A_271], %min3A_204 {strides = array<i32>} : memref<9x2600xf32, #tpu.memory_space<vmem>>, vector<9x2600xf32>,
    %swap3A_273 = arith.constant 0 : index
    %swap3A_274 = arith.constant 0 : index
    %swap3A_275 = vector.load %arg18[%swap3A_273, %swap3A_274] : memref<9x2600xf32, #tpu.memory_space<vmem>>, vector<9x2600xf32>
    tpu.vector_store %arg18[%swap3A_273, %swap3A_274], %min3A_222 {strides = array<i32>} : memref<9x2600xf32, #tpu.memory_space<vmem>>, vector<9x2600xf32>,
    %jit3A_276 = arith.constant -1.000000e+00 : f32
    %broadcast_in_dim3A_277 = vector.broadcast %jit3A_276 : f32 to vector<9x2600xf32>
    %select_n3A_278 = arith.select %and3A_263, %div3A, %broadcast_in_dim3A_277 : vector<9x2600xi1>, vector<9x2600xf32>
    %swap3A_279 = arith.constant 0 : index
    %swap3A_280 = arith.constant 0 : index
    %swap3A_281 = vector.load %arg19[%swap3A_279, %swap3A_280] : memref<9x2600xf32, #tpu.memory_space<vmem>>, vector<9x2600xf32>
    tpu.vector_store %arg19[%swap3A_279, %swap3A_280], %select_n3A_278 {strides = array<i32>} : memref<9x2600xf32, #tpu.memory_space<vmem>>, vector<9x2600xf32>,
    return
  }
}

module attributes {stable_mosaic.version = 14 : i64} {
  func.func @_nms_kernel(%arg0: memref<94x1x128xf32, #tpu.memory_space<vmem>>, %arg1: memref<94x1x128xf32, #tpu.memory_space<vmem>>, %arg2: memref<94x1x128xf32, #tpu.memory_space<vmem>>, %arg3: memref<94x1x128xf32, #tpu.memory_space<vmem>>, %arg4: memref<94x1x128xf32, #tpu.memory_space<vmem>>, %arg5: memref<94x128x4xf32, #tpu.memory_space<vmem>>, %arg6: memref<94x1x128xf32, #tpu.memory_space<vmem>>, %arg7: memref<94x1x128xf32, #tpu.memory_space<vmem>>) attributes {dimension_semantics = [], scalar_prefetch = 0 : i64, scratch_operands = 1 : i64, tpu.core_type = #tpu.core_type<tc>} {
    %iota3A = tpu.iota {dimensions = array<i32: 0>} : vector<94x1x128xi32>
    %iota3A_0 = tpu.iota {dimensions = array<i32: 2>} : vector<94x1x128xi32>
    %mul3A = arith.constant 128 : i32
    %mul3A_1 = vector.broadcast %mul3A : i32 to vector<94x1x128xi32>
    %mul3A_2 = arith.muli %iota3A, %mul3A_1 : vector<94x1x128xi32>
    %add3A = arith.addi %mul3A_2, %iota3A_0 : vector<94x1x128xi32>
    %get3A = arith.constant 0 : index
    %get3A_3 = arith.constant 0 : index
    %get3A_4 = arith.constant 0 : index
    %get3A_5 = vector.load %arg4[%get3A, %get3A_3, %get3A_4] : memref<94x1x128xf32, #tpu.memory_space<vmem>>, vector<94x1x128xf32>
    %le3A = arith.constant 0.000000e+00 : f32
    %le3A_6 = vector.broadcast %le3A : f32 to vector<94x1x128xf32>
    %le3A_7 = arith.cmpf ole, %get3A_5, %le3A_6 : vector<94x1x128xf32>
    %ge3A = arith.constant 12000 : i32
    %ge3A_8 = vector.broadcast %ge3A : i32 to vector<94x1x128xi32>
    %ge3A_9 = arith.cmpi sge, %add3A, %ge3A_8 : vector<94x1x128xi32>
    %or3A = arith.ori %le3A_7, %ge3A_9 : vector<94x1x128xi1>
    %jit3A = arith.constant 1.000000e+00 : f32
    %jit3A_10 = arith.constant 0.000000e+00 : f32
    %broadcast_in_dim3A = vector.broadcast %jit3A : f32 to vector<94x1x128xf32>
    %broadcast_in_dim3A_11 = vector.broadcast %jit3A_10 : f32 to vector<94x1x128xf32>
    %select_n3A = arith.select %or3A, %broadcast_in_dim3A, %broadcast_in_dim3A_11 : vector<94x1x128xi1>, vector<94x1x128xf32>
    %swap3A = arith.constant 0 : index
    %swap3A_12 = arith.constant 0 : index
    %swap3A_13 = arith.constant 0 : index
    %swap3A_14 = vector.load %arg7[%swap3A, %swap3A_12, %swap3A_13] : memref<94x1x128xf32, #tpu.memory_space<vmem>>, vector<94x1x128xf32>
    tpu.vector_store %arg7[%swap3A, %swap3A_12, %swap3A_13], %select_n3A {strides = array<i32>} : memref<94x1x128xf32, #tpu.memory_space<vmem>>, vector<94x1x128xf32>,
    %iota3A_15 = tpu.iota {dimensions = array<i32: 1>} : vector<1x128xi32>
    %iota3A_16 = tpu.iota {dimensions = array<i32: 0>} : vector<128x128xi32>
    %iota3A_17 = tpu.iota {dimensions = array<i32: 1>} : vector<128x128xi32>
    %eq3A = arith.cmpi eq, %iota3A_16, %iota3A_17 : vector<128x128xi32>
    %convert_element_type3A = arith.extui %eq3A : vector<128x128xi1> to vector<128x128xi32>
    %convert_element_type3A_18 = arith.sitofp %convert_element_type3A : vector<128x128xi32> to vector<128x128xf32>
    %broadcast_in_dim3A_19 = arith.constant 1.000000e+00 : f32
    %broadcast_in_dim3A_20 = vector.broadcast %broadcast_in_dim3A_19 : f32 to vector<128x128xf32>
    %scan3A = arith.constant 0 : i32
    %scan3A_21 = arith.constant 0 : i32
    %scan3A_22 = arith.constant 94 : i32
    %scan3A_23 = arith.addi %scan3A_21, %scan3A_22 : i32
    %scan3A_24 = arith.constant 1 : i32
    %scan3A_25 = scf.for %scan3A_37 = %scan3A_21 to %scan3A_23 step %scan3A_24 iter_args(%scan3A_38 = %scan3A) -> (i32)  : i32 {
      %lt3A = arith.constant 2000 : i32
      %lt3A_39 = arith.cmpi slt, %scan3A_38, %lt3A : i32
      %convert_element_type3A_40 = arith.extui %lt3A_39 : i1 to i32
      %cond3A = arith.constant 0 : i32
      %cond3A_41 = arith.cmpi ne, %convert_element_type3A_40, %cond3A : i32
      %cond3A_42 = scf.if %cond3A_41 -> (i32) {
        %get3A_43 = arith.index_cast %scan3A_37 : i32 to index
        %get3A_44 = arith.constant 0 : index
        %get3A_45 = arith.constant 0 : index
        %get3A_46 = vector.load %arg0[%get3A_43, %get3A_44, %get3A_45] : memref<94x1x128xf32, #tpu.memory_space<vmem>>, vector<1x1x128xf32>
        %get3A_47 = vector.shape_cast %get3A_46 : vector<1x1x128xf32> to vector<1x128xf32>
        %get3A_48 = arith.index_cast %scan3A_37 : i32 to index
        %get3A_49 = arith.constant 0 : index
        %get3A_50 = arith.constant 0 : index
        %get3A_51 = vector.load %arg1[%get3A_48, %get3A_49, %get3A_50] : memref<94x1x128xf32, #tpu.memory_space<vmem>>, vector<1x1x128xf32>
        %get3A_52 = vector.shape_cast %get3A_51 : vector<1x1x128xf32> to vector<1x128xf32>
        %get3A_53 = arith.index_cast %scan3A_37 : i32 to index
        %get3A_54 = arith.constant 0 : index
        %get3A_55 = arith.constant 0 : index
        %get3A_56 = vector.load %arg2[%get3A_53, %get3A_54, %get3A_55] : memref<94x1x128xf32, #tpu.memory_space<vmem>>, vector<1x1x128xf32>
        %get3A_57 = vector.shape_cast %get3A_56 : vector<1x1x128xf32> to vector<1x128xf32>
        %get3A_58 = arith.index_cast %scan3A_37 : i32 to index
        %get3A_59 = arith.constant 0 : index
        %get3A_60 = arith.constant 0 : index
        %get3A_61 = vector.load %arg3[%get3A_58, %get3A_59, %get3A_60] : memref<94x1x128xf32, #tpu.memory_space<vmem>>, vector<1x1x128xf32>
        %get3A_62 = vector.shape_cast %get3A_61 : vector<1x1x128xf32> to vector<1x128xf32>
        %get3A_63 = arith.index_cast %scan3A_37 : i32 to index
        %get3A_64 = arith.constant 0 : index
        %get3A_65 = arith.constant 0 : index
        %get3A_66 = vector.load %arg5[%get3A_63, %get3A_64, %get3A_65] : memref<94x128x4xf32, #tpu.memory_space<vmem>>, vector<1x128x1xf32>
        %get3A_67 = vector.shape_cast %get3A_66 : vector<1x128x1xf32> to vector<128x1xf32>
        %get3A_68 = arith.index_cast %scan3A_37 : i32 to index
        %get3A_69 = arith.constant 0 : index
        %get3A_70 = arith.constant 1 : index
        %get3A_71 = vector.load %arg5[%get3A_68, %get3A_69, %get3A_70] : memref<94x128x4xf32, #tpu.memory_space<vmem>>, vector<1x128x1xf32>
        %get3A_72 = vector.shape_cast %get3A_71 : vector<1x128x1xf32> to vector<128x1xf32>
        %get3A_73 = arith.index_cast %scan3A_37 : i32 to index
        %get3A_74 = arith.constant 0 : index
        %get3A_75 = arith.constant 2 : index
        %get3A_76 = vector.load %arg5[%get3A_73, %get3A_74, %get3A_75] : memref<94x128x4xf32, #tpu.memory_space<vmem>>, vector<1x128x1xf32>
        %get3A_77 = vector.shape_cast %get3A_76 : vector<1x128x1xf32> to vector<128x1xf32>
        %get3A_78 = arith.index_cast %scan3A_37 : i32 to index
        %get3A_79 = arith.constant 0 : index
        %get3A_80 = arith.constant 3 : index
        %get3A_81 = vector.load %arg5[%get3A_78, %get3A_79, %get3A_80] : memref<94x128x4xf32, #tpu.memory_space<vmem>>, vector<1x128x1xf32>
        %get3A_82 = vector.shape_cast %get3A_81 : vector<1x128x1xf32> to vector<128x1xf32>
        %sub3A_83 = arith.subf %get3A_57, %get3A_47 : vector<1x128xf32>
        %sub3A_84 = arith.subf %get3A_62, %get3A_52 : vector<1x128xf32>
        %mul3A_85 = arith.mulf %sub3A_83, %sub3A_84 : vector<1x128xf32>
        %sub3A_86 = arith.subf %get3A_77, %get3A_67 : vector<128x1xf32>
        %sub3A_87 = arith.subf %get3A_82, %get3A_72 : vector<128x1xf32>
        %mul3A_88 = arith.mulf %sub3A_86, %sub3A_87 : vector<128x1xf32>
        %max3A = vector.broadcast %get3A_67 : vector<128x1xf32> to vector<128x128xf32>
        %max3A_89 = vector.broadcast %get3A_47 : vector<1x128xf32> to vector<128x128xf32>
        %max3A_90 = arith.maximumf %max3A, %max3A_89 : vector<128x128xf32>
        %max3A_91 = vector.broadcast %get3A_72 : vector<128x1xf32> to vector<128x128xf32>
        %max3A_92 = vector.broadcast %get3A_52 : vector<1x128xf32> to vector<128x128xf32>
        %max3A_93 = arith.maximumf %max3A_91, %max3A_92 : vector<128x128xf32>
        %min3A = vector.broadcast %get3A_77 : vector<128x1xf32> to vector<128x128xf32>
        %min3A_94 = vector.broadcast %get3A_57 : vector<1x128xf32> to vector<128x128xf32>
        %min3A_95 = arith.minimumf %min3A, %min3A_94 : vector<128x128xf32>
        %min3A_96 = vector.broadcast %get3A_82 : vector<128x1xf32> to vector<128x128xf32>
        %min3A_97 = vector.broadcast %get3A_62 : vector<1x128xf32> to vector<128x128xf32>
        %min3A_98 = arith.minimumf %min3A_96, %min3A_97 : vector<128x128xf32>
        %sub3A_99 = arith.subf %min3A_95, %max3A_90 : vector<128x128xf32>
        %max3A_100 = arith.constant 0.000000e+00 : f32
        %max3A_101 = vector.broadcast %max3A_100 : f32 to vector<128x128xf32>
        %max3A_102 = arith.maximumf %sub3A_99, %max3A_101 : vector<128x128xf32>
        %sub3A_103 = arith.subf %min3A_98, %max3A_93 : vector<128x128xf32>
        %max3A_104 = arith.constant 0.000000e+00 : f32
        %max3A_105 = vector.broadcast %max3A_104 : f32 to vector<128x128xf32>
        %max3A_106 = arith.maximumf %sub3A_103, %max3A_105 : vector<128x128xf32>
        %mul3A_107 = arith.mulf %max3A_102, %max3A_106 : vector<128x128xf32>
        %add3A_108 = vector.broadcast %mul3A_88 : vector<128x1xf32> to vector<128x128xf32>
        %add3A_109 = vector.broadcast %mul3A_85 : vector<1x128xf32> to vector<128x128xf32>
        %add3A_110 = arith.addf %add3A_108, %add3A_109 : vector<128x128xf32>
        %sub3A_111 = arith.subf %add3A_110, %mul3A_107 : vector<128x128xf32>
        %add3A_112 = arith.constant 9.99999971E-10 : f32
        %add3A_113 = vector.broadcast %add3A_112 : f32 to vector<128x128xf32>
        %add3A_114 = arith.addf %sub3A_111, %add3A_113 : vector<128x128xf32>
        %div3A = arith.divf %mul3A_107, %add3A_114 : vector<128x128xf32>
        %iota3A_115 = tpu.iota {dimensions = array<i32: 1>} : vector<128x128xi32>
        %iota3A_116 = tpu.iota {dimensions = array<i32: 0>} : vector<128x128xi32>
        %gt3A = arith.cmpi sgt, %iota3A_115, %iota3A_116 : vector<128x128xi32>
        %gt3A_117 = arith.constant 0.699999988 : f32
        %gt3A_118 = vector.broadcast %gt3A_117 : f32 to vector<128x128xf32>
        %gt3A_119 = arith.cmpf ogt, %div3A, %gt3A_118 : vector<128x128xf32>
        %and3A = arith.andi %gt3A_119, %gt3A : vector<128x128xi1>
        %jit3A_120 = arith.constant 1.000000e+00 : f32
        %jit3A_121 = arith.constant 0.000000e+00 : f32
        %broadcast_in_dim3A_122 = vector.broadcast %jit3A_120 : f32 to vector<128x128xf32>
        %broadcast_in_dim3A_123 = vector.broadcast %jit3A_121 : f32 to vector<128x128xf32>
        %select_n3A_124 = arith.select %and3A, %broadcast_in_dim3A_122, %broadcast_in_dim3A_123 : vector<128x128xi1>, vector<128x128xf32>
        %get3A_125 = arith.index_cast %scan3A_37 : i32 to index
        %get3A_126 = arith.constant 0 : index
        %get3A_127 = arith.constant 0 : index
        %get3A_128 = vector.load %arg7[%get3A_125, %get3A_126, %get3A_127] : memref<94x1x128xf32, #tpu.memory_space<vmem>>, vector<1x1x128xf32>
        %get3A_129 = vector.shape_cast %get3A_128 : vector<1x1x128xf32> to vector<1x128xf32>
        %scan3A_130 = arith.constant 0 : i32
        %scan3A_131 = arith.constant 128 : i32
        %scan3A_132 = arith.addi %scan3A_130, %scan3A_131 : i32
        %scan3A_133 = arith.constant 1 : i32
        %scan3A_134 = scf.for %scan3A_167 = %scan3A_130 to %scan3A_132 step %scan3A_133 iter_args(%scan3A_168 = %get3A_129) -> (vector<1x128xf32>)  : i32 {
          %eq3A_169 = vector.broadcast %scan3A_167 : i32 to vector<1x128xi32>
          %eq3A_170 = arith.cmpi eq, %iota3A_15, %eq3A_169 : vector<1x128xi32>
          %convert_element_type3A_171 = arith.extui %eq3A_170 : vector<1x128xi1> to vector<1x128xi32>
          %convert_element_type3A_172 = arith.sitofp %convert_element_type3A_171 : vector<1x128xi32> to vector<1x128xf32>
          %mul3A_173 = arith.mulf %scan3A_168, %convert_element_type3A_172 : vector<1x128xf32>
          %reduce_sum3A_174 = vector.shape_cast %mul3A_173 : vector<1x128xf32> to vector<1x1x128xf32>
          %reduce_sum3A_175 = arith.constant dense<0.000000e+00> : vector<1xf32>
          %reduce_sum3A_176 = vector.multi_reduction <add>, %reduce_sum3A_174, %reduce_sum3A_175 [1, 2] : vector<1x1x128xf32> to vector<1xf32>
          %reduce_sum3A_177 = vector.shape_cast %reduce_sum3A_176 : vector<1xf32> to vector<1x1x1xf32>
          %reduce_sum3A_178 = vector.extract %reduce_sum3A_177[0, 0, 0] : f32 from vector<1x1x1xf32>
          %sub3A_179 = arith.constant 1.000000e+00 : f32
          %sub3A_180 = arith.subf %sub3A_179, %reduce_sum3A_178 : f32
          %dot_general3A_181 = arith.constant dense<0.000000e+00> : vector<1x128xf32>
          %dot_general3A_182 = tpu.matmul %convert_element_type3A_172, %select_n3A_124, %dot_general3A_181 {dimension_numbers = #tpu.dot_dimension_numbers<[1], [0], [0], [1], [0, 0, 1, 1], [], []>, transpose_lhs_hint = false} : vector<1x128xf32>, vector<128x128xf32>, vector<1x128xf32> -> vector<1x128xf32>
          %mul3A_183 = vector.broadcast %sub3A_180 : f32 to vector<1x128xf32>
          %mul3A_184 = arith.mulf %dot_general3A_182, %mul3A_183 : vector<1x128xf32>
          %max3A_185 = arith.maximumf %scan3A_168, %mul3A_184 : vector<1x128xf32>
          scf.yield %max3A_185 : vector<1x128xf32>
        }
        %scan3A_135 = arith.constant 128 : i32
        %swap3A_136 = arith.index_cast %scan3A_37 : i32 to index
        %swap3A_137 = arith.constant 0 : index
        %swap3A_138 = arith.constant 0 : index
        %swap3A_139 = vector.load %arg7[%swap3A_136, %swap3A_137, %swap3A_138] : memref<94x1x128xf32, #tpu.memory_space<vmem>>, vector<1x1x128xf32>
        %swap3A_140 = vector.shape_cast %swap3A_139 : vector<1x1x128xf32> to vector<1x128xf32>
        %swap3A_141 = vector.shape_cast %scan3A_134 : vector<1x128xf32> to vector<1x1x128xf32>
        tpu.vector_store %arg7[%swap3A_136, %swap3A_137, %swap3A_138], %swap3A_141 {strides = array<i32>} : memref<94x1x128xf32, #tpu.memory_space<vmem>>, vector<1x1x128xf32>,
        %sub3A_142 = arith.constant 1.000000e+00 : f32
        %sub3A_143 = vector.broadcast %sub3A_142 : f32 to vector<1x128xf32>
        %sub3A_144 = arith.subf %sub3A_143, %scan3A_134 : vector<1x128xf32>
        %mul3A_145 = vector.broadcast %sub3A_144 : vector<1x128xf32> to vector<128x128xf32>
        %mul3A_146 = arith.mulf %convert_element_type3A_18, %mul3A_145 : vector<128x128xf32>
        %dot_general3A = arith.constant dense<0.000000e+00> : vector<128x128xf32>
        %dot_general3A_147 = tpu.matmul %mul3A_146, %broadcast_in_dim3A_20, %dot_general3A {dimension_numbers = #tpu.dot_dimension_numbers<[1], [0], [0], [1], [0, 0, 1, 1], [], []>, transpose_lhs_hint = false} : vector<128x128xf32>, vector<128x128xf32>, vector<128x128xf32> -> vector<128x128xf32>
        %add3A_148 = arith.constant 1 : i32
        %add3A_149 = arith.addi %scan3A_37, %add3A_148 : i32
        %while3A = arith.constant 94 : i32
        %while3A_150 = arith.constant 0 : i32
        %while3A_151 = arith.subi %while3A, %add3A_149 : i32
        %while3A_152 = arith.addi %add3A_149, %while3A_151 : i32
        %while3A_153 = arith.constant 1 : i32
        %while3A_154 = arith.divsi %while3A_151, %while3A_153 : i32
        %while3A_155 = arith.muli %while3A_154, %while3A_153 : i32
        %while3A_156 = arith.addi %add3A_149, %while3A_155 : i32
        %while3A_157 = arith.constant 1 : i32
        %while3A_158 = scf.for %while3A_167 = %add3A_149 to %while3A_156 step %while3A_157 iter_args(%while3A_168 = %while3A_150) -> (i32)  : i32 {
          %get3A_169 = arith.index_cast %while3A_167 : i32 to index
          %get3A_170 = arith.constant 0 : index
          %get3A_171 = arith.constant 0 : index
          %get3A_172 = vector.load %arg0[%get3A_169, %get3A_170, %get3A_171] : memref<94x1x128xf32, #tpu.memory_space<vmem>>, vector<1x1x128xf32>
          %get3A_173 = vector.shape_cast %get3A_172 : vector<1x1x128xf32> to vector<1x128xf32>
          %get3A_174 = arith.index_cast %while3A_167 : i32 to index
          %get3A_175 = arith.constant 0 : index
          %get3A_176 = arith.constant 0 : index
          %get3A_177 = vector.load %arg1[%get3A_174, %get3A_175, %get3A_176] : memref<94x1x128xf32, #tpu.memory_space<vmem>>, vector<1x1x128xf32>
          %get3A_178 = vector.shape_cast %get3A_177 : vector<1x1x128xf32> to vector<1x128xf32>
          %get3A_179 = arith.index_cast %while3A_167 : i32 to index
          %get3A_180 = arith.constant 0 : index
          %get3A_181 = arith.constant 0 : index
          %get3A_182 = vector.load %arg2[%get3A_179, %get3A_180, %get3A_181] : memref<94x1x128xf32, #tpu.memory_space<vmem>>, vector<1x1x128xf32>
          %get3A_183 = vector.shape_cast %get3A_182 : vector<1x1x128xf32> to vector<1x128xf32>
          %get3A_184 = arith.index_cast %while3A_167 : i32 to index
          %get3A_185 = arith.constant 0 : index
          %get3A_186 = arith.constant 0 : index
          %get3A_187 = vector.load %arg3[%get3A_184, %get3A_185, %get3A_186] : memref<94x1x128xf32, #tpu.memory_space<vmem>>, vector<1x1x128xf32>
          %get3A_188 = vector.shape_cast %get3A_187 : vector<1x1x128xf32> to vector<1x128xf32>
          %sub3A_189 = arith.subf %get3A_183, %get3A_173 : vector<1x128xf32>
          %sub3A_190 = arith.subf %get3A_188, %get3A_178 : vector<1x128xf32>
          %mul3A_191 = arith.mulf %sub3A_189, %sub3A_190 : vector<1x128xf32>
          %max3A_192 = vector.broadcast %get3A_67 : vector<128x1xf32> to vector<128x128xf32>
          %max3A_193 = vector.broadcast %get3A_173 : vector<1x128xf32> to vector<128x128xf32>
          %max3A_194 = arith.maximumf %max3A_192, %max3A_193 : vector<128x128xf32>
          %max3A_195 = vector.broadcast %get3A_72 : vector<128x1xf32> to vector<128x128xf32>
          %max3A_196 = vector.broadcast %get3A_178 : vector<1x128xf32> to vector<128x128xf32>
          %max3A_197 = arith.maximumf %max3A_195, %max3A_196 : vector<128x128xf32>
          %min3A_198 = vector.broadcast %get3A_77 : vector<128x1xf32> to vector<128x128xf32>
          %min3A_199 = vector.broadcast %get3A_183 : vector<1x128xf32> to vector<128x128xf32>
          %min3A_200 = arith.minimumf %min3A_198, %min3A_199 : vector<128x128xf32>
          %min3A_201 = vector.broadcast %get3A_82 : vector<128x1xf32> to vector<128x128xf32>
          %min3A_202 = vector.broadcast %get3A_188 : vector<1x128xf32> to vector<128x128xf32>
          %min3A_203 = arith.minimumf %min3A_201, %min3A_202 : vector<128x128xf32>
          %sub3A_204 = arith.subf %min3A_200, %max3A_194 : vector<128x128xf32>
          %max3A_205 = arith.constant 0.000000e+00 : f32
          %max3A_206 = vector.broadcast %max3A_205 : f32 to vector<128x128xf32>
          %max3A_207 = arith.maximumf %sub3A_204, %max3A_206 : vector<128x128xf32>
          %sub3A_208 = arith.subf %min3A_203, %max3A_197 : vector<128x128xf32>
          %max3A_209 = arith.constant 0.000000e+00 : f32
          %max3A_210 = vector.broadcast %max3A_209 : f32 to vector<128x128xf32>
          %max3A_211 = arith.maximumf %sub3A_208, %max3A_210 : vector<128x128xf32>
          %mul3A_212 = arith.mulf %max3A_207, %max3A_211 : vector<128x128xf32>
          %add3A_213 = vector.broadcast %mul3A_88 : vector<128x1xf32> to vector<128x128xf32>
          %add3A_214 = vector.broadcast %mul3A_191 : vector<1x128xf32> to vector<128x128xf32>
          %add3A_215 = arith.addf %add3A_213, %add3A_214 : vector<128x128xf32>
          %sub3A_216 = arith.subf %add3A_215, %mul3A_212 : vector<128x128xf32>
          %add3A_217 = arith.constant 9.99999971E-10 : f32
          %add3A_218 = vector.broadcast %add3A_217 : f32 to vector<128x128xf32>
          %add3A_219 = arith.addf %sub3A_216, %add3A_218 : vector<128x128xf32>
          %div3A_220 = arith.divf %mul3A_212, %add3A_219 : vector<128x128xf32>
          %gt3A_221 = arith.constant 0.699999988 : f32
          %gt3A_222 = vector.broadcast %gt3A_221 : f32 to vector<128x128xf32>
          %gt3A_223 = arith.cmpf ogt, %div3A_220, %gt3A_222 : vector<128x128xf32>
          %jit3A_224 = arith.constant 1.000000e+00 : f32
          %jit3A_225 = arith.constant 0.000000e+00 : f32
          %broadcast_in_dim3A_226 = vector.broadcast %jit3A_224 : f32 to vector<128x128xf32>
          %broadcast_in_dim3A_227 = vector.broadcast %jit3A_225 : f32 to vector<128x128xf32>
          %select_n3A_228 = arith.select %gt3A_223, %broadcast_in_dim3A_226, %broadcast_in_dim3A_227 : vector<128x128xi1>, vector<128x128xf32>
          %mul3A_229 = arith.mulf %select_n3A_228, %dot_general3A_147 : vector<128x128xf32>
          %reduce_max3A = arith.constant dense<0xFF800000> : vector<128xf32>
          %reduce_max3A_230 = vector.multi_reduction <maximumf>, %mul3A_229, %reduce_max3A [0] : vector<128x128xf32> to vector<128xf32>
          %broadcast_in_dim3A_231 = vector.shape_cast %reduce_max3A_230 : vector<128xf32> to vector<1x128xf32>
          %get3A_232 = arith.index_cast %while3A_167 : i32 to index
          %get3A_233 = arith.constant 0 : index
          %get3A_234 = arith.constant 0 : index
          %get3A_235 = vector.load %arg7[%get3A_232, %get3A_233, %get3A_234] : memref<94x1x128xf32, #tpu.memory_space<vmem>>, vector<1x1x128xf32>
          %get3A_236 = vector.shape_cast %get3A_235 : vector<1x1x128xf32> to vector<1x128xf32>
          %max3A_237 = arith.maximumf %get3A_236, %broadcast_in_dim3A_231 : vector<1x128xf32>
          %swap3A_238 = arith.index_cast %while3A_167 : i32 to index
          %swap3A_239 = arith.constant 0 : index
          %swap3A_240 = arith.constant 0 : index
          %swap3A_241 = vector.load %arg7[%swap3A_238, %swap3A_239, %swap3A_240] : memref<94x1x128xf32, #tpu.memory_space<vmem>>, vector<1x1x128xf32>
          %swap3A_242 = vector.shape_cast %swap3A_241 : vector<1x1x128xf32> to vector<1x128xf32>
          %swap3A_243 = vector.shape_cast %max3A_237 : vector<1x128xf32> to vector<1x1x128xf32>
          tpu.vector_store %arg7[%swap3A_238, %swap3A_239, %swap3A_240], %swap3A_243 {strides = array<i32>} : memref<94x1x128xf32, #tpu.memory_space<vmem>>, vector<1x1x128xf32>,
          %while3A_244 = arith.constant 0 : i32
          scf.yield %while3A_244 : i32
        }
        %while3A_159 = arith.constant 1 : i32
        %while3A_160 = scf.for %while3A_167 = %while3A_156 to %while3A_152 step %while3A_159 iter_args(%while3A_168 = %while3A_158) -> (i32)  : i32 {
          %get3A_169 = arith.index_cast %while3A_167 : i32 to index
          %get3A_170 = arith.constant 0 : index
          %get3A_171 = arith.constant 0 : index
          %get3A_172 = vector.load %arg0[%get3A_169, %get3A_170, %get3A_171] : memref<94x1x128xf32, #tpu.memory_space<vmem>>, vector<1x1x128xf32>
          %get3A_173 = vector.shape_cast %get3A_172 : vector<1x1x128xf32> to vector<1x128xf32>
          %get3A_174 = arith.index_cast %while3A_167 : i32 to index
          %get3A_175 = arith.constant 0 : index
          %get3A_176 = arith.constant 0 : index
          %get3A_177 = vector.load %arg1[%get3A_174, %get3A_175, %get3A_176] : memref<94x1x128xf32, #tpu.memory_space<vmem>>, vector<1x1x128xf32>
          %get3A_178 = vector.shape_cast %get3A_177 : vector<1x1x128xf32> to vector<1x128xf32>
          %get3A_179 = arith.index_cast %while3A_167 : i32 to index
          %get3A_180 = arith.constant 0 : index
          %get3A_181 = arith.constant 0 : index
          %get3A_182 = vector.load %arg2[%get3A_179, %get3A_180, %get3A_181] : memref<94x1x128xf32, #tpu.memory_space<vmem>>, vector<1x1x128xf32>
          %get3A_183 = vector.shape_cast %get3A_182 : vector<1x1x128xf32> to vector<1x128xf32>
          %get3A_184 = arith.index_cast %while3A_167 : i32 to index
          %get3A_185 = arith.constant 0 : index
          %get3A_186 = arith.constant 0 : index
          %get3A_187 = vector.load %arg3[%get3A_184, %get3A_185, %get3A_186] : memref<94x1x128xf32, #tpu.memory_space<vmem>>, vector<1x1x128xf32>
          %get3A_188 = vector.shape_cast %get3A_187 : vector<1x1x128xf32> to vector<1x128xf32>
          %sub3A_189 = arith.subf %get3A_183, %get3A_173 : vector<1x128xf32>
          %sub3A_190 = arith.subf %get3A_188, %get3A_178 : vector<1x128xf32>
          %mul3A_191 = arith.mulf %sub3A_189, %sub3A_190 : vector<1x128xf32>
          %max3A_192 = vector.broadcast %get3A_67 : vector<128x1xf32> to vector<128x128xf32>
          %max3A_193 = vector.broadcast %get3A_173 : vector<1x128xf32> to vector<128x128xf32>
          %max3A_194 = arith.maximumf %max3A_192, %max3A_193 : vector<128x128xf32>
          %max3A_195 = vector.broadcast %get3A_72 : vector<128x1xf32> to vector<128x128xf32>
          %max3A_196 = vector.broadcast %get3A_178 : vector<1x128xf32> to vector<128x128xf32>
          %max3A_197 = arith.maximumf %max3A_195, %max3A_196 : vector<128x128xf32>
          %min3A_198 = vector.broadcast %get3A_77 : vector<128x1xf32> to vector<128x128xf32>
          %min3A_199 = vector.broadcast %get3A_183 : vector<1x128xf32> to vector<128x128xf32>
          %min3A_200 = arith.minimumf %min3A_198, %min3A_199 : vector<128x128xf32>
          %min3A_201 = vector.broadcast %get3A_82 : vector<128x1xf32> to vector<128x128xf32>
          %min3A_202 = vector.broadcast %get3A_188 : vector<1x128xf32> to vector<128x128xf32>
          %min3A_203 = arith.minimumf %min3A_201, %min3A_202 : vector<128x128xf32>
          %sub3A_204 = arith.subf %min3A_200, %max3A_194 : vector<128x128xf32>
          %max3A_205 = arith.constant 0.000000e+00 : f32
          %max3A_206 = vector.broadcast %max3A_205 : f32 to vector<128x128xf32>
          %max3A_207 = arith.maximumf %sub3A_204, %max3A_206 : vector<128x128xf32>
          %sub3A_208 = arith.subf %min3A_203, %max3A_197 : vector<128x128xf32>
          %max3A_209 = arith.constant 0.000000e+00 : f32
          %max3A_210 = vector.broadcast %max3A_209 : f32 to vector<128x128xf32>
          %max3A_211 = arith.maximumf %sub3A_208, %max3A_210 : vector<128x128xf32>
          %mul3A_212 = arith.mulf %max3A_207, %max3A_211 : vector<128x128xf32>
          %add3A_213 = vector.broadcast %mul3A_88 : vector<128x1xf32> to vector<128x128xf32>
          %add3A_214 = vector.broadcast %mul3A_191 : vector<1x128xf32> to vector<128x128xf32>
          %add3A_215 = arith.addf %add3A_213, %add3A_214 : vector<128x128xf32>
          %sub3A_216 = arith.subf %add3A_215, %mul3A_212 : vector<128x128xf32>
          %add3A_217 = arith.constant 9.99999971E-10 : f32
          %add3A_218 = vector.broadcast %add3A_217 : f32 to vector<128x128xf32>
          %add3A_219 = arith.addf %sub3A_216, %add3A_218 : vector<128x128xf32>
          %div3A_220 = arith.divf %mul3A_212, %add3A_219 : vector<128x128xf32>
          %gt3A_221 = arith.constant 0.699999988 : f32
          %gt3A_222 = vector.broadcast %gt3A_221 : f32 to vector<128x128xf32>
          %gt3A_223 = arith.cmpf ogt, %div3A_220, %gt3A_222 : vector<128x128xf32>
          %jit3A_224 = arith.constant 1.000000e+00 : f32
          %jit3A_225 = arith.constant 0.000000e+00 : f32
          %broadcast_in_dim3A_226 = vector.broadcast %jit3A_224 : f32 to vector<128x128xf32>
          %broadcast_in_dim3A_227 = vector.broadcast %jit3A_225 : f32 to vector<128x128xf32>
          %select_n3A_228 = arith.select %gt3A_223, %broadcast_in_dim3A_226, %broadcast_in_dim3A_227 : vector<128x128xi1>, vector<128x128xf32>
          %mul3A_229 = arith.mulf %select_n3A_228, %dot_general3A_147 : vector<128x128xf32>
          %reduce_max3A = arith.constant dense<0xFF800000> : vector<128xf32>
          %reduce_max3A_230 = vector.multi_reduction <maximumf>, %mul3A_229, %reduce_max3A [0] : vector<128x128xf32> to vector<128xf32>
          %broadcast_in_dim3A_231 = vector.shape_cast %reduce_max3A_230 : vector<128xf32> to vector<1x128xf32>
          %get3A_232 = arith.index_cast %while3A_167 : i32 to index
          %get3A_233 = arith.constant 0 : index
          %get3A_234 = arith.constant 0 : index
          %get3A_235 = vector.load %arg7[%get3A_232, %get3A_233, %get3A_234] : memref<94x1x128xf32, #tpu.memory_space<vmem>>, vector<1x1x128xf32>
          %get3A_236 = vector.shape_cast %get3A_235 : vector<1x1x128xf32> to vector<1x128xf32>
          %max3A_237 = arith.maximumf %get3A_236, %broadcast_in_dim3A_231 : vector<1x128xf32>
          %swap3A_238 = arith.index_cast %while3A_167 : i32 to index
          %swap3A_239 = arith.constant 0 : index
          %swap3A_240 = arith.constant 0 : index
          %swap3A_241 = vector.load %arg7[%swap3A_238, %swap3A_239, %swap3A_240] : memref<94x1x128xf32, #tpu.memory_space<vmem>>, vector<1x1x128xf32>
          %swap3A_242 = vector.shape_cast %swap3A_241 : vector<1x1x128xf32> to vector<1x128xf32>
          %swap3A_243 = vector.shape_cast %max3A_237 : vector<1x128xf32> to vector<1x1x128xf32>
          tpu.vector_store %arg7[%swap3A_238, %swap3A_239, %swap3A_240], %swap3A_243 {strides = array<i32>} : memref<94x1x128xf32, #tpu.memory_space<vmem>>, vector<1x1x128xf32>,
          %while3A_244 = arith.constant 0 : i32
          scf.yield %while3A_244 : i32
        }
        %reduce_sum3A = vector.shape_cast %sub3A_144 : vector<1x128xf32> to vector<1x1x128xf32>
        %reduce_sum3A_161 = arith.constant dense<0.000000e+00> : vector<1xf32>
        %reduce_sum3A_162 = vector.multi_reduction <add>, %reduce_sum3A, %reduce_sum3A_161 [1, 2] : vector<1x1x128xf32> to vector<1xf32>
        %reduce_sum3A_163 = vector.shape_cast %reduce_sum3A_162 : vector<1xf32> to vector<1x1x1xf32>
        %reduce_sum3A_164 = vector.extract %reduce_sum3A_163[0, 0, 0] : f32 from vector<1x1x1xf32>
        %convert_element_type3A_165 = arith.fptosi %reduce_sum3A_164 : f32 to i32
        %add3A_166 = arith.addi %scan3A_38, %convert_element_type3A_165 : i32
        scf.yield %add3A_166 : i32
      } else {
        scf.yield %scan3A_38 : i32
      }
      scf.yield %cond3A_42 : i32
    }
    %scan3A_26 = arith.constant 94 : i32
    %get3A_27 = arith.constant 0 : index
    %get3A_28 = arith.constant 0 : index
    %get3A_29 = arith.constant 0 : index
    %get3A_30 = vector.load %arg7[%get3A_27, %get3A_28, %get3A_29] : memref<94x1x128xf32, #tpu.memory_space<vmem>>, vector<94x1x128xf32>
    %sub3A = arith.constant 1.000000e+00 : f32
    %sub3A_31 = vector.broadcast %sub3A : f32 to vector<94x1x128xf32>
    %sub3A_32 = arith.subf %sub3A_31, %get3A_30 : vector<94x1x128xf32>
    %swap3A_33 = arith.constant 0 : index
    %swap3A_34 = arith.constant 0 : index
    %swap3A_35 = arith.constant 0 : index
    %swap3A_36 = vector.load %arg6[%swap3A_33, %swap3A_34, %swap3A_35] : memref<94x1x128xf32, #tpu.memory_space<vmem>>, vector<94x1x128xf32>
    tpu.vector_store %arg6[%swap3A_33, %swap3A_34, %swap3A_35], %sub3A_32 {strides = array<i32>} : memref<94x1x128xf32, #tpu.memory_space<vmem>>, vector<94x1x128xf32>,
    return
  }
}

</mosaic_0001>

<sc_bundles>
// kernel: gather_offload_async_start.1
scs
__scs_entry_jumppad:
0x0: {  	(pc) =	sbr.rel $0x88, $3  }
0x1: {  	(tag) =	ssettag $0x0;
	lr =	simm.s32 $0x1  }
0x2: {  	[smem:$0x3F99] =	sst lr;
	_ =	strace $0xD0000000  }
0x3: {  	_ = 	snop  }
0x4: {  	_ = 	snop  }
0x5: {  	_ = 	snop  }
0x6: {  	_ = 	snop  }
0x7: {  	_ = 	snop  }
__scs_overlays_trampoline_lowered:
0x8: {  	[smem:$0x3FA8] =	sst s0  }
0x9: {  	[smem:$0x3FA9] =	sst s1  }
0xa: {  	[smem:$0x3FAA] =	sst s2  }
0xb: {  	[smem:$0x3FAB] =	sst s3  }
0xc: {  	[smem:$0x3FAC] =	sst s4  }
0xd: {  	[smem:$0x3FAD] =	sst s5  }
0xe: {  	[smem:$0x3FAE] =	sst s6  }
0xf: {  	[smem:$0x3FAF] =	sst s7  }
0x10: {  	[smem:$0x3FB0] =	sst s8  }
0x11: {  	[smem:$0x3FB1] =	sst s9;
	s0 =	simm.s32 @!p0 $0x0  }
0x12: {  	s1 =	sld [smem:$0x3F97];
	s0 =	simm.s32 @p0 $0x1  }
0x13: {  	[smem:$0x3FB2] =	sst s0;
	s0 =	simm.s32 @!p1 $0x0  }
0x14: {  	s2 =	sld [smem:$0x3F96];
	s0 =	simm.s32 @p1 $0x1  }
0x15: {  	[smem:$0x3FB3] =	sst s0;
	s0 =	simm.s32 @!p2 $0x0  }
0x16: {  	s3 =	sld [smem:$0x3FDB];
	s0 =	simm.s32 @p2 $0x1  }
0x17: {  	s4 =	simm.s32 $0x1BF5;
	[smem:$0x3FB5] =	sst s0  }
0x18: {  	s0 =	sld [smem:$0x3F98];
	_ =	swait.ge [sflag:s4], $0x0  }
0x19: {  	s7 =	sld [smem:$0x3F99]  }
0x1a: {  	s8 =	sadd.s32 $0xFFFFE003, lr  }
0x1b: {  	s9 =	sadd.s32 $0xFFFFFEF7, lr;
	s5 =	simm.s32 $0xFFFFFFFF;
	p2 =	slt.u32 s8, $0xFFFFF086  }
0x1c: {  	p1 =	slt.u32 s9, $0xF7A;
	s5 =	simm.s32 @!p2 $0x0  }
0x1d: {  	s5 =	simm.s32 @p1 $0x1;
	p0 =	seq.s32 s7, s2  }
0x1e: {  	s7 =	smul.u32 @!p0 $0xF7A, s2;
	p2 =	seq.s32 @!p0 s5, $0x0  }
0x1f: {  	s9 =	smul.u32 $0xF7A, s1;
	s8 =	simm.s32 @!p0 $0x1BF5;
	p2 =	por !p2, p0  }
0x20: {  	[sflag:s8] =	ssyncset.s32 @!p0 $0xFFFFF086;
	s6 =	sadd.s32 @!p0 s3, s7;
	s7 =	simm.s32 @!p0 $0x108  }
0x21: {  	s3 =	sadd.s32 s3, s9;
	s6 =	sadd.s32 @!p0 $0x88, s6;
	s7 =	simm.s32 @p2 $0x1082  }
0x22: {  	[simem:s7], [sflag:s8] =	dma.local @!p0 [hbm:s6], $0xF7A  }
0x23: {  	s9 =	sor.u32 $0xD0000000, s2;
	s6 =	simm.s32 $0x108;
	_ =	swait.ge @!p0 [sflag:s8], $0x0  }
0x24: {  	s3 =	sadd.s32 $0x88, s3;
	s6 =	simm.s32 @!p1 $0x1082;
	[sflag:s4] =	ssyncset.s32 $0xFFFFF086  }
0x25: {  	[simem:s6], [sflag:s4] =	dma.local [hbm:s3], $0xF7A  }
0x26: {  	[smem:$0x3F99] =	sst s1;
	(tag) =	ssettag s2;
	_ =	strace s9  }
0x27: {  	s1 =	sld [smem:$0x3FA9]  }
0x28: {  	s2 =	sld [smem:$0x3FAA]  }
0x29: {  	s4 =	sld [smem:$0x3FAC]  }
0x2a: {  	p0 =	seq.s32 s5, $0x0;
	s5 =	sld [smem:$0x3FAD]  }
0x2b: {  	s6 =	sld [smem:$0x3FAE]  }
0x2c: {  	s7 =	sld [smem:$0x3FAF]  }
0x2d: {  	s3 =	simm.s32 $0x108;
	s8 =	sld [smem:$0x3FB0]  }
0x2e: {  	s3 =	simm.s32 @!p0 $0x1082;
	s9 =	sld [smem:$0x3FB1]  }
0x2f: {  	lr =	sadd.s32 s0, s3;
	s0 =	sld [smem:$0x3FA8]  }
0x30: {  	s3 =	sld [smem:$0x3FAB]  }
0x31: {  	[smem:$0x3FB4] =	sst s10  }
0x32: {  	s10 =	sld [smem:$0x3FB2];
	_ =	sdelay $0x3  }
0x33: {  	p0 =	seq.s32 s10, $0x1;
	s10 =	sld [smem:$0x3FB4];
	_ =	sdelay $0x3  }
0x34: {  	[smem:$0x3FB4] =	sst s10  }
0x35: {  	s10 =	sld [smem:$0x3FB3];
	_ =	sdelay $0x3  }
0x36: {  	p1 =	seq.s32 s10, $0x1;
	s10 =	sld [smem:$0x3FB4];
	_ =	sdelay $0x3  }
0x37: {  	[smem:$0x3FB4] =	sst s10  }
0x38: {  	s10 =	sld [smem:$0x3FB5]  }
0x39: {  	_ = 	snop;
	(pc) =	sbr.ind lr, $3  }
0x3a: {  	_ = 	snop  }
0x3b: {  	_ = 	snop  }
0x3c: {  	p2 =	seq.s32 s10, $0x1;
	s10 =	sld [smem:$0x3FB4]  }
0x3d: {  	_ =	shalt  }
0x3e: {  	_ =	shalt  }
0x3f: {  	_ =	shalt  }
0x40: {  	_ =	shalt  }
0x41: {  	_ =	shalt  }
0x42: {  	_ =	shalt  }
0x43: {  	_ =	shalt  }
0x44: {  	_ =	shalt  }
0x45: {  	_ =	shalt  }
0x46: {  	_ =	shalt  }
0x47: {  	_ =	shalt  }
0x48: {  	_ =	shalt  }
0x49: {  	_ =	shalt  }
0x4a: {  	_ =	shalt  }
0x4b: {  	_ =	shalt  }
0x4c: {  	_ =	shalt  }
0x4d: {  	_ =	shalt  }
0x4e: {  	_ =	shalt  }
0x4f: {  	_ =	shalt  }
0x50: {  	_ =	shalt  }
0x51: {  	_ =	shalt  }
0x52: {  	_ =	shalt  }
0x53: {  	_ =	shalt  }
0x54: {  	_ =	shalt  }
0x55: {  	_ =	shalt  }
0x56: {  	_ =	shalt  }
0x57: {  	_ =	shalt  }
0x58: {  	_ =	shalt  }
0x59: {  	_ =	shalt  }
0x5a: {  	_ =	shalt  }
0x5b: {  	_ =	shalt  }
0x5c: {  	_ =	shalt  }
0x5d: {  	_ =	shalt  }
0x5e: {  	_ =	shalt  }
0x5f: {  	_ =	shalt  }
0x60: {  	_ =	shalt  }
0x61: {  	_ =	shalt  }
0x62: {  	_ =	shalt  }
0x63: {  	_ =	shalt  }
0x64: {  	_ =	shalt  }
0x65: {  	_ =	shalt  }
0x66: {  	_ =	shalt  }
0x67: {  	_ =	shalt  }
0x68: {  	_ =	shalt  }
0x69: {  	_ =	shalt  }
0x6a: {  	_ =	shalt  }
0x6b: {  	_ =	shalt  }
0x6c: {  	_ =	shalt  }
0x6d: {  	_ =	shalt  }
0x6e: {  	_ =	shalt  }
0x6f: {  	_ =	shalt  }
0x70: {  	_ =	shalt  }
0x71: {  	_ =	shalt  }
0x72: {  	_ =	shalt  }
0x73: {  	_ =	shalt  }
0x74: {  	_ =	shalt  }
0x75: {  	_ =	shalt  }
0x76: {  	_ =	shalt  }
0x77: {  	_ =	shalt  }
0x78: {  	_ =	shalt  }
0x79: {  	_ =	shalt  }
0x7a: {  	_ =	shalt  }
0x7b: {  	_ =	shalt  }
0x7c: {  	_ =	shalt  }
0x7d: {  	_ =	shalt  }
0x7e: {  	_ =	shalt  }
0x7f: {  	_ =	shalt  }
0x80: {  	_ =	shalt  }
0x81: {  	_ =	shalt  }
0x82: {  	_ =	shalt  }
0x83: {  	_ =	shalt  }
0x84: {  	_ =	shalt  }
0x85: {  	_ =	shalt  }
0x86: {  	_ =	shalt  }
0x87: {  	_ =	shalt  }
.Lfunc_end0:
.L_simem_size_0:
called_computation.2_lowered:
.L_overlay_start_0:
0x88: {  	s2 =	sld [smem:$0x3FD9]  }
0x89: {  	s3 =	sld [smem:$0x3FFE];
	_ =	sdelay $0x1  }
0x8a: {  	s1 =	srdreg.scid  }
0x8b: {  	s0 =	sand.u32 $0x1, s1  }
0x8c: {  	s16 =	sshll.u32 s0, $0xA;
	s2 =	sadd.s32 s3, s2  }
0x8d: {  	s2 =	sadd.s32 s2, s16  }
0x8e: {  	[smem:$0x3FC0] =	sst s2  }
0x8f: {  	_ = 	snop  }
0x90: {  	(tm) =	ssettm $0x1  }
0x91: {  	s17 =	sld [smem:$0x3FFB];
	_ =	sdelay $0x3  }
0x92: {  	_ =	strace s17  }
0x93: {  	s2 =	sld [smem:$0x3FFC];
	_ =	sdelay $0x3  }
0x94: {  	_ =	strace s2  }
0x95: {  	s2 =	sld [smem:$0x3FFD];
	_ =	sdelay $0x3  }
0x96: {  	_ =	strace s2  }
0x97: {  	_ =	strace $0x8FFFFFFF  }
0x98: {  	s18 =	sld [smem:$0x3FDB];
	_ =	sdelay $0x1  }
0x99: {  	s19 =	simm.s32 $_scs_section_size  }
0x9a: {  	s4 =	simm.s32 $_size__tile_overlayer_lowered;
	s5 =	simm.s32 $_tile_overlayer_lowered  }
0x9b: {  	s22 =	simm.s32 $0x1BFF;
	s21 =	sshll.u32 s5, $0x1;
	s2 =	sadd.s32 s19, s18  }
0x9c: {  	s6 =	simm.s32 $0x0;
	s20 =	sshll.u32 s4, $0x1;
	s4 =	sadd.s32 s21, s2  }
0x9d: {  	[timem:s6], [sflag:s22] =	dma.local [hbm:s4], s20  }
0x9e: {  	_ =	swait.ge [sflag:s22], s20  }
0x9f: {  	s3 =	ssub.s32 $0x0, s20;
	[sflag:s22] =	ssyncset.done $0x0  }
0xa0: {  	[sflag:s22] =	ssyncadd.s32 s3;
	_ =	sdelay $0x1  }
0xa1: {  	s23 =	simm.s32 $0x1B8B  }
0xa2: {  	_ =	swait.ge [sflag:s23], $0x1  }
0xa3: {  	[sflag:s23] =	ssyncset.done $0x0  }
0xa4: {  	s25 =	simm.s32 $0x1B8E;
	s24 =	sld [smem:$0x3FFE];
	[sflag:s23] =	ssyncadd.s32 $0xFFFFFFFF  }
0xa5: {  	s26 =	simm.s32 $execute0_lowered;
	[smem:$0x3FD2] =	sst s25  }
0xa6: {  	s4 =	sshll.u32 s26, $0x1;
	_ =	strace $0x80000046;
	[dreg:$0x1] =	wrdreg $0xFFFFFFFF  }
0xa7: {  	s28 =	simm.s32 $_size_execute0_lowered;
	s2 =	sadd.s32 s2, s4;
	[dreg:$0x0] =	wrdreg $0x0  }
0xa8: {  	s4 =	sshll.u32 s28, $0x1;
	[dreg:$0x2] =	wrdreg s2  }
0xa9: {  	[dreg:$0x3] =	wrdreg s4  }
0xaa: {  	[dreg:$0x4] =	wrdreg $0xC0  }
0xab: {  	_ =	task [dreg:s6], $0x5FFFF  }
0xac: {  	[dreg:$0x1] =	wrdreg $0xFFFFFFFF  }
0xad: {  	[dreg:$0x0] =	wrdreg $0x60  }
0xae: {  	[dreg:$0x2] =	wrdreg s24  }
0xaf: {  	[dreg:$0x3] =	wrdreg $0xA  }
0xb0: {  	_ =	task.clear_ibuf [dreg:s6], $0x4FFFF;
	_ =	strace $0x90000046  }
0xb1: {  	s29 =	simm.s32 $0xA;
	_ =	strace $0x80000048  }
0xb2: {  	_ =	swait.ge [sflag:s29], $0x1  }
0xb3: {  	[sflag:s29] =	ssyncadd.s32 $0xFFFFFFFF  }
0xb4: {  	_ =	strace $0x90000048  }
0xb5: {  	_ =	sfence  }
0xb6: {  	s30 =	sld [smem:$0x0];
	_ =	sdelay $0x2  }
0xb7: {  	s31 =	sshll.u32 s1, $0xD;
	s1 =	sshrl.u32 s1, $0x2  }
0xb8: {  	s3 =	sand.u32 $0x4000, s31;
	s1 =	sadd.s32 s1, s30  }
0xb9: {  	s0 =	sor.u32 s3, s0;
	s1 =	sshll.u32 s1, $0x11  }
0xba: {  	s0 =	sor.u32 s1, s0  }
0xbb: {  	s0 =	sadd.s32 $0x8F2B, s0  }
0xbc: {  	[sflag:s0] =	ssyncadd.remote.s32 $0x1  }
0xbd: {  	_ =	sfence.sel $0xFFFF  }
0xbe: {  	[dreg:$0x0] =	wrdreg $0xFFFFFFFF;
	(pc) =	sbr.abs _section_cstart, $3  }
0xbf: {  	[dreg:$0x1] =	wrdreg $0xFFFFFFFF  }
0xc0: {  	_ =	task.clear_ibuf [dreg:s6], $0x2FFFF;
	_ =	strace $0x9FFFFFFF  }
0xc1: {  	(tm) =	ssettm $0x7FFFFFFF  }
tec
execute0_lowered:
.L_overlay_start_1:
0x0: {  	(tag) =	ssettag $0x1  }
0x1: {  	s2 =	rddreg [dreg:$0x0]  }
0x2: {  	s0 =	rddreg [dreg:$0x1];
	s1 =	stileid.u32  }
0x3: {  	s3 =	srdreg.scid;
	_ =	strace $0x80000047;
	s4 =	simm.s32 $0x1  }
0x4: {  	s7 =	simm.s32 $0x1;
	s8 =	simm.s32 $0x1;
	s9 =	simm.s32 $0x3  }
0x5: {  	s10 =	simm.s32 $0x0;
	s5 =	sand.u32 $0x1, s3;
	s6 =	sshll.u32 s1, $0x1  }
0x6: {  	s13 =	simm.s32 $0x0;
	s12 =	simm.s32 $0x0;
	s5 =	sor.u32 s6, s5  }
.Ltmp0:
0x7: {  	[sflag:s4] =	ssyncpa.u1 $0x0;
	p0 =	slt.u32 s5, $0x13;
	(pc) =	sbr.rel .LBB2_1-.Ltmp0, $4  }
0x8: {  	s6 =	simm.s32 $0x2;
	s7 =	simm.s32 @!p0 $0x0;
	p0 =	sne.s32 s5, $0x12  }
0x9: {  	[sflag:s6] =	ssyncpa.u1 $0x0;
	s5 =	smul.u32 $0xF0, s5;
	s8 =	simm.s32 @!p0 $0x0  }
0xa: {  	s3 =	sadd.s32 $0xC00, s2;
	[sflag:s9] =	ssyncpa.u1 $0x0;
	s7 =	sadd.s32 s8, s7  }
0xb: {  	vm0 =	vmmov $0xffff;
	s8 =	sadd.s32 $0x1200, s2;
	s11 =	smov.u32 s5;
	s9 =	sadd.s32 $0x1, s7  }
.LBB2_4:
0xc: {  	v2 =	vnsel vm1, $0x0, v2  }
0xd: {  	vm1 =	vgt.s32 v0, $0x0;
	v2 =	vmin.u32 v2, $0x57E3  }
0xe: {  	v0 =	vnsel vm1, $0x0, v0  }
0xf: {  	v0 =	vmin.u32 v0, $0x57E3  }
0x10: {  	[tilespmem:s18], [sflag:$0x1] =	stream.indirect_vreg.gather [hbm4b:s2+s10], $0x1, v1, vm0, $0x4038;
	[tilespmem:$0x3C0] =	vst v63  }
0x11: {  	(ifvalue) =	ssetifvalue $0x7FFFFFFF  }
0x12: {  	[tilespmem:s15], [sflag:$0x1] =	stream.indirect_vreg.gather [hbm4b:s2+s10], $0x1, v2, vm0, $0x4038;
	[tilespmem:$0x3C0] =	vst v63  }
0x13: {  	s29 =	sadd.s32 $0x10, s15;
	(ifvalue) =	ssetifvalue $0x7FFFFFFF  }
0x14: {  	[tilespmem:s29], [sflag:$0x1] =	stream.indirect_vreg.gather [hbm4b:s2+s10], $0x1, v0, vm0, $0x4038;
	[tilespmem:$0x3C0] =	vst v63  }
0x15: {  	_ =	swait.ge [sflag:s4], $0xF0  }
0x16: {  	s30 =	sshrl.u32 s13, $0x3;
	[sflag:s4] =	ssyncset.done $0x0  }
0x17: {  	s31 =	sand.u32 $0x7, s13;
	s15 =	sadd.s32 s8, s30;
	[sflag:s4] =	ssyncadd.s32 $0xFFFFFF10  }
0x18: {  	[hbm4b:s15+s31] =	stream.linear.scatter [tilespmem:s14], [sflag:$0x3], $0xF0, $0x38;
	[tilespmem:$0x3C0] =	vst v63  }
.LBB2_5:
0x19: {  	s15 =	sadd.s32 $0x1E00, s11  }
0x1a: {  	p1 =	sgt.s32 s15, $0x2EDF  }
0x1b: {  	s15 =	smov.u32 @p1 s5;
	p1 =	sne.s32 s12, s9  }
.Ltmp1:
0x1c: {  	p0 =	slt.u32 s12, $0x2;
	(pc) =	sbr.rel @!p1 .LBB2_6-.Ltmp1, $4  }
0x1d: {  	s14 =	simm.s32 @!p0 $0x3  }
0x1e: {  	_ =	swait.ge @!p0 [sflag:s14], $0xF0  }
0x1f: {  	s16 =	sadd.s32 $0x1, s12;
	s13 =	smov.u32 s11;
	[sflag:s14] =	ssyncset.done @!p0 $0x0  }
0x20: {  	s12 =	smov.u32 s16;
	s11 =	smov.u32 s15;
	[sflag:s14] =	ssyncadd.s32 @!p0 $0xFFFFFF10  }
.LBB2_1:
0x21: {  	p0 =	sge.u32 s12, s7  }
0x22: {  	s14 =	sxor.u32 @!p0 $0x1, s12  }
0x23: {  	s14 =	smul.u32 @!p0 $0x3C0, s14  }
0x24: {  	s31 =	sadd.s32 $0xFFFFFFFF, s12;
	s15 =	sshrl.u32 @!p0 s11, $0x3  }
0x25: {  	s16 =	sand.u32 @!p0 $0x7, s11;
	s15 =	sadd.s32 @!p0 s3, s15;
	s14 =	sshra.s32 @!p0 s14, $0x2  }
0x26: {  	[tilespmem:s14], [sflag:$0x2] =	stream.linear.gather @!p0 [hbm4b:s15+s16], $0xF0, $0x38;
	[tilespmem:$0x3C0] =	vst v63  }
0x27: {  	p0 =	sge.u32 s31, s7  }
.Ltmp2:
0x28: {  	_ = 	snop;
	(pc) =	sbr.rel @p0 .LBB2_5-.Ltmp2, $1  }
0x29: {  	_ =	sdelay $0x3  }
0x2a: {  	s14 =	sand.u32 $0x1, s12  }
0x2b: {  	_ =	swait.ge [sflag:s6], $0xF0;
	p0 =	seq.s32 s14, $0x1;
	s14 =	simm.s32 $0xF0  }
0x2c: {  	[sflag:s6] =	ssyncset.done $0x0;
	s14 =	simm.s32 @!p0 $0x0  }
0x2d: {  	[sflag:s6] =	ssyncadd.s32 $0xFFFFFF10;
	(ifvalue) =	ssetifvalue $0x7FFFFFFF;
	v0 =	vld.msk [tilespmem:s14+$0x0 ss:$0x1], $0xffff;
	_ =	sdelay $0x4  }
0x2e: {  	s15 =	sadd.s32 $0x10, s14;
	vm1 =	vgt.s32 v0, $0x0  }
0x2f: {  	v2 =	vld.msk [tilespmem:s15+$0x0 ss:$0x1], $0xffff;
	v1 =	vnsel vm1, $0x0, v0  }
0x30: {  	v1 =	vmin.u32 v1, $0x57E3;
	_ =	sdelay $0x2  }
0x31: {  	s17 =	simm.s32 $0x20;
	s14 =	sadd.s32 $0x1E0, s14;
	s16 =	sadd.s32 $0x10, s15  }
0x32: {  	s15 =	sadd.s32 $0x10, s14;
	s18 =	smov.u32 s14;
	v0 =	vld.msk [tilespmem:s16+$0x0 ss:$0x1], $0xffff;
	vm1 =	vgt.s32 v2, $0x0;
	(ifvalue) =	ssetifvalue $0x7FFFFFFF  }
.LBB2_3:
0x33: {  	[tilespmem:s18], [sflag:$0x1] =	stream.indirect_vreg.gather [hbm4b:s2+s10], $0x1, v1, vm0, $0x4038;
	[tilespmem:$0x3C0] =	vst v63  }
0x34: {  	s17 =	sadd.s32 $0x10, s17  }
0x35: {  	v2 =	vnsel vm1, $0x0, v2;
	p0 =	slt.u32 s17, $0xE0  }
.Ltmp3:
0x36: {  	s18 =	smov.u32 s15;
	v1 =	vmin.u32 v2, $0x57E3;
	(pc) =	sbr.rel @p0 .LBB2_3-.Ltmp3, $3  }
0x37: {  	_ =	sdelay $0x1  }
0x38: {  	s16 =	sadd.s32 $0x10, s16  }
0x39: {  	vm1 =	vgt.s32 v0, $0x0;
	s15 =	sadd.s32 $0x10, s15;
	v2 =	vmov v0;
	(ifvalue) =	ssetifvalue $0x7FFFFFFF;
	v0 =	vld.msk [tilespmem:s16+$0x0 ss:$0x1], $0xffff  }
.Ltmp4:
0x3a: {  	_ = 	snop;
	(pc) =	sbr.rel .LBB2_4-.Ltmp4, $1  }
0x3b: {  	_ =	sdelay $0x3  }
.LBB2_6:
0x3c: {  	_ =	sfence.sel $0x180000  }
0x3d: {  	s2 =	simm.s32 $0x2;
	[bflag:$0x0] =	sbarrier.arrive $0xFFFF  }
0x3e: {  	s30 =	simm.s32 $0x3;
	[sflag:s2] =	ssyncpa.u1 $0x1  }
0x3f: {  	s31 =	simm.s32 $0x1;
	[sflag:s30] =	ssyncpa.u1 $0x1  }
0x40: {  	[sflag:s31] =	ssyncpa.u1 $0x1  }
0x41: {  	p0 =	sne.s32 s1, $0x0;
	_ =	strace $0x90000047  }
0x42: {  	s0 =	sadd.s32 @!p0 $0x100000, s0;
	[bflag:$0x2] =	sbarrier.arrive $0xFFFF  }
0x43: {  	[sflag:s0] =	ssyncadd.tile.s32 @!p0 $0x1;
	_ =	shalt  }
.Lfunc_end2:
_tile_overlayer_lowered:
.L_overlay_start_2:
0x44: {  	(tag) =	ssettag $0x2  }
0x45: {  	s0 =	rddreg [dreg:$0x0];
	s2 =	stileid.u32  }
0x46: {  	s1 =	rddreg [dreg:$0x1];
	p0 =	sne.s32 s2, $0x0  }
0x47: {  	s3 =	rddreg [dreg:$0x2];
	[bflag:$0x3] =	sbarrier.arrive $0xFFFF;
	s2 =	simm.s32 @!p0 $0x1C01  }
0x48: {  	[timem:s3], [sflag:s2] =	dma.local @!p0 [hbm:s0], s1  }
0x49: {  	s0 =	simm.s32 @!p0 $0x1  }
0x4a: {  	_ =	swait.ge @!p0 [sflag:s0], s1  }
0x4b: {  	s1 =	ssub.s32 @!p0 $0x0, s1;
	[sflag:s0] =	ssyncset.done @!p0 $0x0  }
0x4c: {  	[sflag:s0] =	ssyncadd.s32 @!p0 s1  }
0x4d: {  	[bflag:$0x3] =	sbarrier.arrive $0xFFFF  }
0x4e: {  	_ =	shalt  }

// kernel: gather_offload_async_start.2
scs
__scs_entry_jumppad:
0x0: {  	(pc) =	sbr.rel $0x88, $3  }
0x1: {  	(tag) =	ssettag $0x0;
	lr =	simm.s32 $0x1  }
0x2: {  	[smem:$0x3F99] =	sst lr;
	_ =	strace $0xD0000000  }
0x3: {  	_ = 	snop  }
0x4: {  	_ = 	snop  }
0x5: {  	_ = 	snop  }
0x6: {  	_ = 	snop  }
0x7: {  	_ = 	snop  }
__scs_overlays_trampoline_lowered:
0x8: {  	[smem:$0x3FA8] =	sst s0  }
0x9: {  	[smem:$0x3FA9] =	sst s1  }
0xa: {  	[smem:$0x3FAA] =	sst s2  }
0xb: {  	[smem:$0x3FAB] =	sst s3  }
0xc: {  	[smem:$0x3FAC] =	sst s4  }
0xd: {  	[smem:$0x3FAD] =	sst s5  }
0xe: {  	[smem:$0x3FAE] =	sst s6  }
0xf: {  	[smem:$0x3FAF] =	sst s7  }
0x10: {  	[smem:$0x3FB0] =	sst s8  }
0x11: {  	[smem:$0x3FB1] =	sst s9;
	s0 =	simm.s32 @!p0 $0x0  }
0x12: {  	s1 =	sld [smem:$0x3F97];
	s0 =	simm.s32 @p0 $0x1  }
0x13: {  	[smem:$0x3FB2] =	sst s0;
	s0 =	simm.s32 @!p1 $0x0  }
0x14: {  	s2 =	sld [smem:$0x3F96];
	s0 =	simm.s32 @p1 $0x1  }
0x15: {  	[smem:$0x3FB3] =	sst s0;
	s0 =	simm.s32 @!p2 $0x0  }
0x16: {  	s3 =	sld [smem:$0x3FDB];
	s0 =	simm.s32 @p2 $0x1  }
0x17: {  	s4 =	simm.s32 $0x1BF5;
	[smem:$0x3FB5] =	sst s0  }
0x18: {  	s0 =	sld [smem:$0x3F98];
	_ =	swait.ge [sflag:s4], $0x0  }
0x19: {  	s7 =	sld [smem:$0x3F99]  }
0x1a: {  	s8 =	sadd.s32 $0xFFFFE003, lr  }
0x1b: {  	s9 =	sadd.s32 $0xFFFFFEF7, lr;
	s5 =	simm.s32 $0xFFFFFFFF;
	p2 =	slt.u32 s8, $0xFFFFF086  }
0x1c: {  	p1 =	slt.u32 s9, $0xF7A;
	s5 =	simm.s32 @!p2 $0x0  }
0x1d: {  	s5 =	simm.s32 @p1 $0x1;
	p0 =	seq.s32 s7, s2  }
0x1e: {  	s7 =	smul.u32 @!p0 $0xF7A, s2;
	p2 =	seq.s32 @!p0 s5, $0x0  }
0x1f: {  	s9 =	smul.u32 $0xF7A, s1;
	s8 =	simm.s32 @!p0 $0x1BF5;
	p2 =	por !p2, p0  }
0x20: {  	[sflag:s8] =	ssyncset.s32 @!p0 $0xFFFFF086;
	s6 =	sadd.s32 @!p0 s3, s7;
	s7 =	simm.s32 @!p0 $0x108  }
0x21: {  	s3 =	sadd.s32 s3, s9;
	s6 =	sadd.s32 @!p0 $0x88, s6;
	s7 =	simm.s32 @p2 $0x1082  }
0x22: {  	[simem:s7], [sflag:s8] =	dma.local @!p0 [hbm:s6], $0xF7A  }
0x23: {  	s9 =	sor.u32 $0xD0000000, s2;
	s6 =	simm.s32 $0x108;
	_ =	swait.ge @!p0 [sflag:s8], $0x0  }
0x24: {  	s3 =	sadd.s32 $0x88, s3;
	s6 =	simm.s32 @!p1 $0x1082;
	[sflag:s4] =	ssyncset.s32 $0xFFFFF086  }
0x25: {  	[simem:s6], [sflag:s4] =	dma.local [hbm:s3], $0xF7A  }
0x26: {  	[smem:$0x3F99] =	sst s1;
	(tag) =	ssettag s2;
	_ =	strace s9  }
0x27: {  	s1 =	sld [smem:$0x3FA9]  }
0x28: {  	s2 =	sld [smem:$0x3FAA]  }
0x29: {  	s4 =	sld [smem:$0x3FAC]  }
0x2a: {  	p0 =	seq.s32 s5, $0x0;
	s5 =	sld [smem:$0x3FAD]  }
0x2b: {  	s6 =	sld [smem:$0x3FAE]  }
0x2c: {  	s7 =	sld [smem:$0x3FAF]  }
0x2d: {  	s3 =	simm.s32 $0x108;
	s8 =	sld [smem:$0x3FB0]  }
0x2e: {  	s3 =	simm.s32 @!p0 $0x1082;
	s9 =	sld [smem:$0x3FB1]  }
0x2f: {  	lr =	sadd.s32 s0, s3;
	s0 =	sld [smem:$0x3FA8]  }
0x30: {  	s3 =	sld [smem:$0x3FAB]  }
0x31: {  	[smem:$0x3FB4] =	sst s10  }
0x32: {  	s10 =	sld [smem:$0x3FB2];
	_ =	sdelay $0x3  }
0x33: {  	p0 =	seq.s32 s10, $0x1;
	s10 =	sld [smem:$0x3FB4];
	_ =	sdelay $0x3  }
0x34: {  	[smem:$0x3FB4] =	sst s10  }
0x35: {  	s10 =	sld [smem:$0x3FB3];
	_ =	sdelay $0x3  }
0x36: {  	p1 =	seq.s32 s10, $0x1;
	s10 =	sld [smem:$0x3FB4];
	_ =	sdelay $0x3  }
0x37: {  	[smem:$0x3FB4] =	sst s10  }
0x38: {  	s10 =	sld [smem:$0x3FB5]  }
0x39: {  	_ = 	snop;
	(pc) =	sbr.ind lr, $3  }
0x3a: {  	_ = 	snop  }
0x3b: {  	_ = 	snop  }
0x3c: {  	p2 =	seq.s32 s10, $0x1;
	s10 =	sld [smem:$0x3FB4]  }
0x3d: {  	_ =	shalt  }
0x3e: {  	_ =	shalt  }
0x3f: {  	_ =	shalt  }
0x40: {  	_ =	shalt  }
0x41: {  	_ =	shalt  }
0x42: {  	_ =	shalt  }
0x43: {  	_ =	shalt  }
0x44: {  	_ =	shalt  }
0x45: {  	_ =	shalt  }
0x46: {  	_ =	shalt  }
0x47: {  	_ =	shalt  }
0x48: {  	_ =	shalt  }
0x49: {  	_ =	shalt  }
0x4a: {  	_ =	shalt  }
0x4b: {  	_ =	shalt  }
0x4c: {  	_ =	shalt  }
0x4d: {  	_ =	shalt  }
0x4e: {  	_ =	shalt  }
0x4f: {  	_ =	shalt  }
0x50: {  	_ =	shalt  }
0x51: {  	_ =	shalt  }
0x52: {  	_ =	shalt  }
0x53: {  	_ =	shalt  }
0x54: {  	_ =	shalt  }
0x55: {  	_ =	shalt  }
0x56: {  	_ =	shalt  }
0x57: {  	_ =	shalt  }
0x58: {  	_ =	shalt  }
0x59: {  	_ =	shalt  }
0x5a: {  	_ =	shalt  }
0x5b: {  	_ =	shalt  }
0x5c: {  	_ =	shalt  }
0x5d: {  	_ =	shalt  }
0x5e: {  	_ =	shalt  }
0x5f: {  	_ =	shalt  }
0x60: {  	_ =	shalt  }
0x61: {  	_ =	shalt  }
0x62: {  	_ =	shalt  }
0x63: {  	_ =	shalt  }
0x64: {  	_ =	shalt  }
0x65: {  	_ =	shalt  }
0x66: {  	_ =	shalt  }
0x67: {  	_ =	shalt  }
0x68: {  	_ =	shalt  }
0x69: {  	_ =	shalt  }
0x6a: {  	_ =	shalt  }
0x6b: {  	_ =	shalt  }
0x6c: {  	_ =	shalt  }
0x6d: {  	_ =	shalt  }
0x6e: {  	_ =	shalt  }
0x6f: {  	_ =	shalt  }
0x70: {  	_ =	shalt  }
0x71: {  	_ =	shalt  }
0x72: {  	_ =	shalt  }
0x73: {  	_ =	shalt  }
0x74: {  	_ =	shalt  }
0x75: {  	_ =	shalt  }
0x76: {  	_ =	shalt  }
0x77: {  	_ =	shalt  }
0x78: {  	_ =	shalt  }
0x79: {  	_ =	shalt  }
0x7a: {  	_ =	shalt  }
0x7b: {  	_ =	shalt  }
0x7c: {  	_ =	shalt  }
0x7d: {  	_ =	shalt  }
0x7e: {  	_ =	shalt  }
0x7f: {  	_ =	shalt  }
0x80: {  	_ =	shalt  }
0x81: {  	_ =	shalt  }
0x82: {  	_ =	shalt  }
0x83: {  	_ =	shalt  }
0x84: {  	_ =	shalt  }
0x85: {  	_ =	shalt  }
0x86: {  	_ =	shalt  }
0x87: {  	_ =	shalt  }
.Lfunc_end0:
.L_simem_size_0:
called_computation.3_lowered:
.L_overlay_start_0:
0x88: {  	s0 =	sld [smem:$0x3FD9]  }
0x89: {  	s1 =	sld [smem:$0x3FFE];
	_ =	sdelay $0x3  }
0x8a: {  	s0 =	sadd.s32 s1, s0  }
0x8b: {  	[smem:$0x3FC0] =	sst s0  }
0x8c: {  	_ = 	snop  }
0x8d: {  	s0 =	sld [smem:$0x3FD0];
	_ =	sdelay $0x2  }
0x8e: {  	s13 =	simm.s32 $0xD;
	s2 =	simm.s32 $0x10  }
0x8f: {  	[smem:s2], [sflag:s13] =	dma.local [hbm:s0], $0x1  }
0x90: {  	_ =	swait.eq [sflag:s13], $0x1  }
0x91: {  	[sflag:s13] =	ssyncset.done $0x0  }
0x92: {  	[sflag:s13] =	ssyncadd.s32 $0xFFFFFFFF  }
0x93: {  	s14 =	sld [smem:$0x12];
	(tm) =	ssettm $0x1  }
0x94: {  	s15 =	sld [smem:$0x3FFB];
	_ =	sdelay $0x3  }
0x95: {  	_ =	strace s15  }
0x96: {  	s1 =	sld [smem:$0x3FFC];
	_ =	sdelay $0x3  }
0x97: {  	_ =	strace s1  }
0x98: {  	s1 =	sld [smem:$0x3FFD];
	_ =	sdelay $0x3  }
0x99: {  	_ =	strace s1  }
0x9a: {  	_ =	strace $0x8FFFFFFF  }
0x9b: {  	s16 =	sld [smem:$0x3FDB];
	_ =	sdelay $0x1  }
0x9c: {  	s17 =	simm.s32 $_scs_section_size  }
0x9d: {  	s3 =	simm.s32 $_size__tile_overlayer_lowered;
	s4 =	simm.s32 $_tile_overlayer_lowered  }
0x9e: {  	s20 =	simm.s32 $0x1BFF;
	s19 =	sshll.u32 s4, $0x1;
	s1 =	sadd.s32 s17, s16  }
0x9f: {  	s5 =	simm.s32 $0x0;
	s18 =	sshll.u32 s3, $0x1;
	s3 =	sadd.s32 s19, s1  }
0xa0: {  	[timem:s5], [sflag:s20] =	dma.local [hbm:s3], s18  }
0xa1: {  	_ =	swait.ge [sflag:s20], s18  }
0xa2: {  	s2 =	ssub.s32 $0x0, s18;
	[sflag:s20] =	ssyncset.done $0x0  }
0xa3: {  	[sflag:s20] =	ssyncadd.s32 s2;
	_ =	sdelay $0x1  }
0xa4: {  	s21 =	simm.s32 $0x1B8B  }
0xa5: {  	_ =	swait.ge [sflag:s21], $0x1  }
0xa6: {  	[sflag:s21] =	ssyncset.done $0x0  }
0xa7: {  	s23 =	simm.s32 $0x1B8E;
	s22 =	sld [smem:$0x3FFE];
	[sflag:s21] =	ssyncadd.s32 $0xFFFFFFFF  }
0xa8: {  	s24 =	simm.s32 $execute0_lowered;
	[smem:$0x3FD2] =	sst s23  }
0xa9: {  	s3 =	sshll.u32 s24, $0x1;
	_ =	strace $0x8000005B;
	[dreg:$0x1] =	wrdreg $0xFFFFFFFF  }
0xaa: {  	s25 =	simm.s32 $_size_execute0_lowered;
	s1 =	sadd.s32 s1, s3;
	[dreg:$0x0] =	wrdreg $0x0  }
0xab: {  	s3 =	sshll.u32 s25, $0x1;
	[dreg:$0x2] =	wrdreg s1  }
0xac: {  	[dreg:$0x3] =	wrdreg s3  }
0xad: {  	[dreg:$0x4] =	wrdreg $0xC0  }
0xae: {  	_ =	task [dreg:s5], $0x5FFFF  }
0xaf: {  	[dreg:$0x1] =	wrdreg $0xFFFFFFFF  }
0xb0: {  	[dreg:$0x0] =	wrdreg $0x60  }
0xb1: {  	[dreg:$0x2] =	wrdreg s22  }
0xb2: {  	[dreg:$0x3] =	wrdreg s14  }
0xb3: {  	[dreg:$0x4] =	wrdreg $0x9  }
0xb4: {  	_ =	task.clear_ibuf [dreg:s5], $0x5FFFF;
	_ =	strace $0x9000005B  }
0xb5: {  	s26 =	simm.s32 $0x9;
	_ =	strace $0x8000005D  }
0xb6: {  	_ =	swait.ge [sflag:s26], $0x1  }
0xb7: {  	[sflag:s26] =	ssyncadd.s32 $0xFFFFFFFF  }
0xb8: {  	_ =	strace $0x9000005D  }
0xb9: {  	_ =	sfence  }
0xba: {  	s28 =	sld [smem:$0x0];
	_ =	sdelay $0x1  }
0xbb: {  	s29 =	srdreg.scid  }
0xbc: {  	s30 =	sshll.u32 s29, $0xD;
	s31 =	sshrl.u32 s29, $0x2  }
0xbd: {  	s2 =	sand.u32 $0x4000, s30;
	s1 =	sand.u32 $0x1, s29;
	s0 =	sadd.s32 s31, s28  }
0xbe: {  	s1 =	sor.u32 s2, s1;
	s0 =	sshll.u32 s0, $0x11  }
0xbf: {  	s0 =	sor.u32 s0, s1  }
0xc0: {  	s0 =	sadd.s32 $0x8F2B, s0  }
0xc1: {  	[sflag:s0] =	ssyncadd.remote.s32 $0x1  }
0xc2: {  	_ =	sfence.sel $0xFFFF  }
0xc3: {  	[dreg:$0x0] =	wrdreg $0xFFFFFFFF;
	(pc) =	sbr.abs _section_cstart, $3  }
0xc4: {  	[dreg:$0x1] =	wrdreg $0xFFFFFFFF  }
0xc5: {  	_ =	task.clear_ibuf [dreg:s5], $0x2FFFF;
	_ =	strace $0x9FFFFFFF  }
0xc6: {  	(tm) =	ssettm $0x7FFFFFFF  }
0xc7: {  	_ =	shalt  }
tec
execute0_lowered:
.L_overlay_start_1:
0x0: {  	(tag) =	ssettag $0x1  }
0x1: {  	s8 =	rddreg [dreg:$0x0]  }
0x2: {  	s2 =	rddreg [dreg:$0x1]  }
0x3: {  	s0 =	rddreg [dreg:$0x2]  }
0x4: {  	s1 =	stileid.u32;
	_ =	strace $0x8000005C;
	s5 =	simm.s32 $0x1  }
0x5: {  	s6 =	simm.s32 $0x500;
	s9 =	simm.s32 $0x1;
	s10 =	simm.s32 $0x3  }
0x6: {  	s13 =	simm.s32 $0x0;
	s12 =	simm.s32 $0x0;
	s4 =	smul.u32 $0x50, s1  }
0x7: {  	s3 =	sadd.s32 $0x600, s8;
	p0 =	slt.u32 s1, $0xA;
	[sflag:s5] =	ssyncpa.u1 $0x0  }
.Ltmp0:
0x8: {  	s6 =	simm.s32 @!p0 $0x0;
	s7 =	ssub.s32 $0x7D0, s4;
	(pc) =	sbr.rel .LBB2_1-.Ltmp0, $4  }
0x9: {  	s9 =	simm.s32 @!p0 $0x0;
	p0 =	sne.s32 s7, s6;
	s7 =	simm.s32 $0x1  }
0xa: {  	s8 =	sadd.s32 $0x1800, s8;
	s6 =	simm.s32 $0x2;
	s7 =	simm.s32 @!p0 $0x0  }
0xb: {  	s11 =	smov.u32 s4;
	[sflag:s6] =	ssyncpa.u1 $0x0;
	s7 =	sadd.s32 s9, s7  }
0xc: {  	vm0 =	vmmov $0xffff;
	[sflag:s10] =	ssyncpa.u1 $0x0;
	s10 =	simm.s32 $0x0;
	s9 =	sadd.s32 $0x1, s7  }
.LBB2_4:
0xd: {  	v2 =	vnsel vm1, $0x0, v2  }
0xe: {  	vm1 =	vgt.s32 v0, $0x0;
	v2 =	vmin.u32 v2, $0x2EFF  }
0xf: {  	v0 =	vnsel vm1, $0x0, v0  }
0x10: {  	v0 =	vmin.u32 v0, $0x2EFF  }
0x11: {  	[tilespmem:s18], [sflag:$0x1] =	stream.indirect_vreg.gather [hbm4b:s3+s10], $0x1, v1, vm0, $0x4038;
	[tilespmem:$0x140] =	vst v63  }
0x12: {  	(ifvalue) =	ssetifvalue $0x7FFFFFFF  }
0x13: {  	[tilespmem:s15], [sflag:$0x1] =	stream.indirect_vreg.gather [hbm4b:s3+s10], $0x1, v2, vm0, $0x4038;
	[tilespmem:$0x140] =	vst v63  }
0x14: {  	s29 =	sadd.s32 $0x10, s15;
	(ifvalue) =	ssetifvalue $0x7FFFFFFF  }
0x15: {  	[tilespmem:s29], [sflag:$0x1] =	stream.indirect_vreg.gather [hbm4b:s3+s10], $0x1, v0, vm0, $0x4038;
	[tilespmem:$0x140] =	vst v63  }
0x16: {  	_ =	swait.ge [sflag:s5], $0x50  }
0x17: {  	s30 =	sshrl.u32 s13, $0x3;
	[sflag:s5] =	ssyncset.done $0x0  }
0x18: {  	s31 =	sand.u32 $0x7, s13;
	s15 =	sadd.s32 s8, s30;
	[sflag:s5] =	ssyncadd.s32 $0xFFFFFFB0  }
0x19: {  	[hbm4b:s15+s31] =	stream.linear.scatter [tilespmem:s14], [sflag:$0x3], $0x50, $0x38;
	[tilespmem:$0x140] =	vst v63  }
.LBB2_5:
0x1a: {  	s15 =	sadd.s32 $0x500, s11  }
0x1b: {  	p1 =	sgt.s32 s15, $0x7CF  }
0x1c: {  	s15 =	smov.u32 @p1 s4;
	p1 =	sne.s32 s12, s9  }
.Ltmp1:
0x1d: {  	p0 =	slt.u32 s12, $0x2;
	(pc) =	sbr.rel @!p1 .LBB2_6-.Ltmp1, $4  }
0x1e: {  	s14 =	simm.s32 @!p0 $0x3  }
0x1f: {  	_ =	swait.ge @!p0 [sflag:s14], $0x50  }
0x20: {  	s16 =	sadd.s32 $0x1, s12;
	s13 =	smov.u32 s11;
	[sflag:s14] =	ssyncset.done @!p0 $0x0  }
0x21: {  	s12 =	smov.u32 s16;
	s11 =	smov.u32 s15;
	[sflag:s14] =	ssyncadd.s32 @!p0 $0xFFFFFFB0  }
.LBB2_1:
0x22: {  	p0 =	sge.u32 s12, s7  }
0x23: {  	s14 =	sxor.u32 @!p0 $0x1, s12  }
0x24: {  	s14 =	smul.u32 @!p0 $0x140, s14  }
0x25: {  	s31 =	sadd.s32 $0xFFFFFFFF, s12;
	s15 =	sshrl.u32 @!p0 s11, $0x3  }
0x26: {  	s16 =	sand.u32 @!p0 $0x7, s11;
	s15 =	sadd.s32 @!p0 s2, s15;
	s14 =	sshra.s32 @!p0 s14, $0x2  }
0x27: {  	[tilespmem:s14], [sflag:$0x2] =	stream.linear.gather @!p0 [hbm4b:s15+s16], $0x50, $0x38;
	[tilespmem:$0x140] =	vst v63  }
0x28: {  	p0 =	sge.u32 s31, s7  }
.Ltmp2:
0x29: {  	_ = 	snop;
	(pc) =	sbr.rel @p0 .LBB2_5-.Ltmp2, $1  }
0x2a: {  	_ =	sdelay $0x3  }
0x2b: {  	s14 =	sand.u32 $0x1, s12  }
0x2c: {  	_ =	swait.ge [sflag:s6], $0x50;
	p0 =	seq.s32 s14, $0x1;
	s14 =	simm.s32 $0x50  }
0x2d: {  	[sflag:s6] =	ssyncset.done $0x0;
	s14 =	simm.s32 @!p0 $0x0  }
0x2e: {  	[sflag:s6] =	ssyncadd.s32 $0xFFFFFFB0;
	(ifvalue) =	ssetifvalue $0x7FFFFFFF;
	v0 =	vld.msk [tilespmem:s14+$0x0 ss:$0x1], $0xffff;
	_ =	sdelay $0x4  }
0x2f: {  	s15 =	sadd.s32 $0x10, s14;
	vm1 =	vgt.s32 v0, $0x0  }
0x30: {  	v2 =	vld.msk [tilespmem:s15+$0x0 ss:$0x1], $0xffff;
	v1 =	vnsel vm1, $0x0, v0  }
0x31: {  	v1 =	vmin.u32 v1, $0x2EFF;
	_ =	sdelay $0x2  }
0x32: {  	s17 =	simm.s32 $0x20;
	s14 =	sor.u32 $0xA0, s14;
	s16 =	sadd.s32 $0x10, s15  }
0x33: {  	s15 =	sadd.s32 $0x10, s14;
	s18 =	smov.u32 s14;
	v0 =	vld.msk [tilespmem:s16+$0x0 ss:$0x1], $0xffff;
	vm1 =	vgt.s32 v2, $0x0;
	(ifvalue) =	ssetifvalue $0x7FFFFFFF  }
.LBB2_3:
0x34: {  	[tilespmem:s18], [sflag:$0x1] =	stream.indirect_vreg.gather [hbm4b:s3+s10], $0x1, v1, vm0, $0x4038;
	[tilespmem:$0x140] =	vst v63  }
0x35: {  	s17 =	sadd.s32 $0x10, s17  }
0x36: {  	v2 =	vnsel vm1, $0x0, v2;
	p0 =	slt.u32 s17, $0x40  }
.Ltmp3:
0x37: {  	s18 =	smov.u32 s15;
	v1 =	vmin.u32 v2, $0x2EFF;
	(pc) =	sbr.rel @p0 .LBB2_3-.Ltmp3, $3  }
0x38: {  	_ =	sdelay $0x1  }
0x39: {  	s16 =	sadd.s32 $0x10, s16  }
0x3a: {  	vm1 =	vgt.s32 v0, $0x0;
	s15 =	sadd.s32 $0x10, s15;
	v2 =	vmov v0;
	(ifvalue) =	ssetifvalue $0x7FFFFFFF;
	v0 =	vld.msk [tilespmem:s16+$0x0 ss:$0x1], $0xffff  }
.Ltmp4:
0x3b: {  	_ = 	snop;
	(pc) =	sbr.rel .LBB2_4-.Ltmp4, $1  }
0x3c: {  	_ =	sdelay $0x3  }
.LBB2_6:
0x3d: {  	_ =	sfence.sel $0x180000  }
0x3e: {  	s2 =	simm.s32 $0x2;
	[bflag:$0x0] =	sbarrier.arrive $0xFFFF  }
0x3f: {  	s30 =	simm.s32 $0x3;
	[sflag:s2] =	ssyncpa.u1 $0x1  }
0x40: {  	s31 =	simm.s32 $0x1;
	[sflag:s30] =	ssyncpa.u1 $0x1  }
0x41: {  	[sflag:s31] =	ssyncpa.u1 $0x1  }
0x42: {  	p0 =	sne.s32 s1, $0x0;
	_ =	strace $0x9000005C  }
0x43: {  	s0 =	sadd.s32 @!p0 $0x100000, s0;
	[bflag:$0x2] =	sbarrier.arrive $0xFFFF  }
0x44: {  	[sflag:s0] =	ssyncadd.tile.s32 @!p0 $0x1;
	_ =	shalt  }
.Lfunc_end2:
_tile_overlayer_lowered:
.L_overlay_start_2:
0x45: {  	(tag) =	ssettag $0x2  }
0x46: {  	s0 =	rddreg [dreg:$0x0];
	s2 =	stileid.u32  }
0x47: {  	s1 =	rddreg [dreg:$0x1];
	p0 =	sne.s32 s2, $0x0  }
0x48: {  	s3 =	rddreg [dreg:$0x2];
	[bflag:$0x3] =	sbarrier.arrive $0xFFFF;
	s2 =	simm.s32 @!p0 $0x1C01  }
0x49: {  	[timem:s3], [sflag:s2] =	dma.local @!p0 [hbm:s0], s1  }
0x4a: {  	s0 =	simm.s32 @!p0 $0x1  }
0x4b: {  	_ =	swait.ge @!p0 [sflag:s0], s1  }
0x4c: {  	s1 =	ssub.s32 @!p0 $0x0, s1;
	[sflag:s0] =	ssyncset.done @!p0 $0x0  }
0x4d: {  	[sflag:s0] =	ssyncadd.s32 @!p0 s1  }
0x4e: {  	[bflag:$0x3] =	sbarrier.arrive $0xFFFF  }
0x4f: {  	_ =	shalt  }

// kernel: gather_offload_async_start.3
scs
__scs_entry_jumppad:
0x0: {  	(pc) =	sbr.rel $0x88, $3  }
0x1: {  	(tag) =	ssettag $0x0;
	lr =	simm.s32 $0x1  }
0x2: {  	[smem:$0x3F99] =	sst lr;
	_ =	strace $0xD0000000  }
0x3: {  	_ = 	snop  }
0x4: {  	_ = 	snop  }
0x5: {  	_ = 	snop  }
0x6: {  	_ = 	snop  }
0x7: {  	_ = 	snop  }
__scs_overlays_trampoline_lowered:
0x8: {  	[smem:$0x3FA8] =	sst s0  }
0x9: {  	[smem:$0x3FA9] =	sst s1  }
0xa: {  	[smem:$0x3FAA] =	sst s2  }
0xb: {  	[smem:$0x3FAB] =	sst s3  }
0xc: {  	[smem:$0x3FAC] =	sst s4  }
0xd: {  	[smem:$0x3FAD] =	sst s5  }
0xe: {  	[smem:$0x3FAE] =	sst s6  }
0xf: {  	[smem:$0x3FAF] =	sst s7  }
0x10: {  	[smem:$0x3FB0] =	sst s8  }
0x11: {  	[smem:$0x3FB1] =	sst s9;
	s0 =	simm.s32 @!p0 $0x0  }
0x12: {  	s1 =	sld [smem:$0x3F97];
	s0 =	simm.s32 @p0 $0x1  }
0x13: {  	[smem:$0x3FB2] =	sst s0;
	s0 =	simm.s32 @!p1 $0x0  }
0x14: {  	s2 =	sld [smem:$0x3F96];
	s0 =	simm.s32 @p1 $0x1  }
0x15: {  	[smem:$0x3FB3] =	sst s0;
	s0 =	simm.s32 @!p2 $0x0  }
0x16: {  	s3 =	sld [smem:$0x3FDB];
	s0 =	simm.s32 @p2 $0x1  }
0x17: {  	s4 =	simm.s32 $0x1BF5;
	[smem:$0x3FB5] =	sst s0  }
0x18: {  	s0 =	sld [smem:$0x3F98];
	_ =	swait.ge [sflag:s4], $0x0  }
0x19: {  	s7 =	sld [smem:$0x3F99]  }
0x1a: {  	s8 =	sadd.s32 $0xFFFFE003, lr  }
0x1b: {  	s9 =	sadd.s32 $0xFFFFFEF7, lr;
	s5 =	simm.s32 $0xFFFFFFFF;
	p2 =	slt.u32 s8, $0xFFFFF086  }
0x1c: {  	p1 =	slt.u32 s9, $0xF7A;
	s5 =	simm.s32 @!p2 $0x0  }
0x1d: {  	s5 =	simm.s32 @p1 $0x1;
	p0 =	seq.s32 s7, s2  }
0x1e: {  	s7 =	smul.u32 @!p0 $0xF7A, s2;
	p2 =	seq.s32 @!p0 s5, $0x0  }
0x1f: {  	s9 =	smul.u32 $0xF7A, s1;
	s8 =	simm.s32 @!p0 $0x1BF5;
	p2 =	por !p2, p0  }
0x20: {  	[sflag:s8] =	ssyncset.s32 @!p0 $0xFFFFF086;
	s6 =	sadd.s32 @!p0 s3, s7;
	s7 =	simm.s32 @!p0 $0x108  }
0x21: {  	s3 =	sadd.s32 s3, s9;
	s6 =	sadd.s32 @!p0 $0x88, s6;
	s7 =	simm.s32 @p2 $0x1082  }
0x22: {  	[simem:s7], [sflag:s8] =	dma.local @!p0 [hbm:s6], $0xF7A  }
0x23: {  	s9 =	sor.u32 $0xD0000000, s2;
	s6 =	simm.s32 $0x108;
	_ =	swait.ge @!p0 [sflag:s8], $0x0  }
0x24: {  	s3 =	sadd.s32 $0x88, s3;
	s6 =	simm.s32 @!p1 $0x1082;
	[sflag:s4] =	ssyncset.s32 $0xFFFFF086  }
0x25: {  	[simem:s6], [sflag:s4] =	dma.local [hbm:s3], $0xF7A  }
0x26: {  	[smem:$0x3F99] =	sst s1;
	(tag) =	ssettag s2;
	_ =	strace s9  }
0x27: {  	s1 =	sld [smem:$0x3FA9]  }
0x28: {  	s2 =	sld [smem:$0x3FAA]  }
0x29: {  	s4 =	sld [smem:$0x3FAC]  }
0x2a: {  	p0 =	seq.s32 s5, $0x0;
	s5 =	sld [smem:$0x3FAD]  }
0x2b: {  	s6 =	sld [smem:$0x3FAE]  }
0x2c: {  	s7 =	sld [smem:$0x3FAF]  }
0x2d: {  	s3 =	simm.s32 $0x108;
	s8 =	sld [smem:$0x3FB0]  }
0x2e: {  	s3 =	simm.s32 @!p0 $0x1082;
	s9 =	sld [smem:$0x3FB1]  }
0x2f: {  	lr =	sadd.s32 s0, s3;
	s0 =	sld [smem:$0x3FA8]  }
0x30: {  	s3 =	sld [smem:$0x3FAB]  }
0x31: {  	[smem:$0x3FB4] =	sst s10  }
0x32: {  	s10 =	sld [smem:$0x3FB2];
	_ =	sdelay $0x3  }
0x33: {  	p0 =	seq.s32 s10, $0x1;
	s10 =	sld [smem:$0x3FB4];
	_ =	sdelay $0x3  }
0x34: {  	[smem:$0x3FB4] =	sst s10  }
0x35: {  	s10 =	sld [smem:$0x3FB3];
	_ =	sdelay $0x3  }
0x36: {  	p1 =	seq.s32 s10, $0x1;
	s10 =	sld [smem:$0x3FB4];
	_ =	sdelay $0x3  }
0x37: {  	[smem:$0x3FB4] =	sst s10  }
0x38: {  	s10 =	sld [smem:$0x3FB5]  }
0x39: {  	_ = 	snop;
	(pc) =	sbr.ind lr, $3  }
0x3a: {  	_ = 	snop  }
0x3b: {  	_ = 	snop  }
0x3c: {  	p2 =	seq.s32 s10, $0x1;
	s10 =	sld [smem:$0x3FB4]  }
0x3d: {  	_ =	shalt  }
0x3e: {  	_ =	shalt  }
0x3f: {  	_ =	shalt  }
0x40: {  	_ =	shalt  }
0x41: {  	_ =	shalt  }
0x42: {  	_ =	shalt  }
0x43: {  	_ =	shalt  }
0x44: {  	_ =	shalt  }
0x45: {  	_ =	shalt  }
0x46: {  	_ =	shalt  }
0x47: {  	_ =	shalt  }
0x48: {  	_ =	shalt  }
0x49: {  	_ =	shalt  }
0x4a: {  	_ =	shalt  }
0x4b: {  	_ =	shalt  }
0x4c: {  	_ =	shalt  }
0x4d: {  	_ =	shalt  }
0x4e: {  	_ =	shalt  }
0x4f: {  	_ =	shalt  }
0x50: {  	_ =	shalt  }
0x51: {  	_ =	shalt  }
0x52: {  	_ =	shalt  }
0x53: {  	_ =	shalt  }
0x54: {  	_ =	shalt  }
0x55: {  	_ =	shalt  }
0x56: {  	_ =	shalt  }
0x57: {  	_ =	shalt  }
0x58: {  	_ =	shalt  }
0x59: {  	_ =	shalt  }
0x5a: {  	_ =	shalt  }
0x5b: {  	_ =	shalt  }
0x5c: {  	_ =	shalt  }
0x5d: {  	_ =	shalt  }
0x5e: {  	_ =	shalt  }
0x5f: {  	_ =	shalt  }
0x60: {  	_ =	shalt  }
0x61: {  	_ =	shalt  }
0x62: {  	_ =	shalt  }
0x63: {  	_ =	shalt  }
0x64: {  	_ =	shalt  }
0x65: {  	_ =	shalt  }
0x66: {  	_ =	shalt  }
0x67: {  	_ =	shalt  }
0x68: {  	_ =	shalt  }
0x69: {  	_ =	shalt  }
0x6a: {  	_ =	shalt  }
0x6b: {  	_ =	shalt  }
0x6c: {  	_ =	shalt  }
0x6d: {  	_ =	shalt  }
0x6e: {  	_ =	shalt  }
0x6f: {  	_ =	shalt  }
0x70: {  	_ =	shalt  }
0x71: {  	_ =	shalt  }
0x72: {  	_ =	shalt  }
0x73: {  	_ =	shalt  }
0x74: {  	_ =	shalt  }
0x75: {  	_ =	shalt  }
0x76: {  	_ =	shalt  }
0x77: {  	_ =	shalt  }
0x78: {  	_ =	shalt  }
0x79: {  	_ =	shalt  }
0x7a: {  	_ =	shalt  }
0x7b: {  	_ =	shalt  }
0x7c: {  	_ =	shalt  }
0x7d: {  	_ =	shalt  }
0x7e: {  	_ =	shalt  }
0x7f: {  	_ =	shalt  }
0x80: {  	_ =	shalt  }
0x81: {  	_ =	shalt  }
0x82: {  	_ =	shalt  }
0x83: {  	_ =	shalt  }
0x84: {  	_ =	shalt  }
0x85: {  	_ =	shalt  }
0x86: {  	_ =	shalt  }
0x87: {  	_ =	shalt  }
.Lfunc_end0:
.L_simem_size_0:
called_computation.4_lowered:
.L_overlay_start_0:
0x88: {  	s0 =	sld [smem:$0x3FD9]  }
0x89: {  	s1 =	sld [smem:$0x3FFE];
	_ =	sdelay $0x3  }
0x8a: {  	s0 =	sadd.s32 s1, s0  }
0x8b: {  	[smem:$0x3FC0] =	sst s0  }
0x8c: {  	_ = 	snop  }
0x8d: {  	s0 =	sld [smem:$0x3FD0];
	_ =	sdelay $0x2  }
0x8e: {  	s13 =	simm.s32 $0xD;
	s2 =	simm.s32 $0x10  }
0x8f: {  	[smem:s2], [sflag:s13] =	dma.local [hbm:s0], $0x1  }
0x90: {  	_ =	swait.eq [sflag:s13], $0x1  }
0x91: {  	[sflag:s13] =	ssyncset.done $0x0  }
0x92: {  	[sflag:s13] =	ssyncadd.s32 $0xFFFFFFFF  }
0x93: {  	s14 =	sld [smem:$0x12];
	(tm) =	ssettm $0x1  }
0x94: {  	s15 =	sld [smem:$0x3FFB];
	_ =	sdelay $0x3  }
0x95: {  	_ =	strace s15  }
0x96: {  	s1 =	sld [smem:$0x3FFC];
	_ =	sdelay $0x3  }
0x97: {  	_ =	strace s1  }
0x98: {  	s1 =	sld [smem:$0x3FFD];
	_ =	sdelay $0x3  }
0x99: {  	_ =	strace s1  }
0x9a: {  	_ =	strace $0x8FFFFFFF  }
0x9b: {  	s16 =	sld [smem:$0x3FDB];
	_ =	sdelay $0x1  }
0x9c: {  	s17 =	simm.s32 $_scs_section_size  }
0x9d: {  	s3 =	simm.s32 $_size__tile_overlayer_lowered;
	s4 =	simm.s32 $_tile_overlayer_lowered  }
0x9e: {  	s20 =	simm.s32 $0x1BFF;
	s19 =	sshll.u32 s4, $0x1;
	s1 =	sadd.s32 s17, s16  }
0x9f: {  	s5 =	simm.s32 $0x0;
	s18 =	sshll.u32 s3, $0x1;
	s3 =	sadd.s32 s19, s1  }
0xa0: {  	[timem:s5], [sflag:s20] =	dma.local [hbm:s3], s18  }
0xa1: {  	_ =	swait.ge [sflag:s20], s18  }
0xa2: {  	s2 =	ssub.s32 $0x0, s18;
	[sflag:s20] =	ssyncset.done $0x0  }
0xa3: {  	[sflag:s20] =	ssyncadd.s32 s2;
	_ =	sdelay $0x1  }
0xa4: {  	s21 =	simm.s32 $0x1B8B  }
0xa5: {  	_ =	swait.ge [sflag:s21], $0x1  }
0xa6: {  	[sflag:s21] =	ssyncset.done $0x0  }
0xa7: {  	s23 =	simm.s32 $0x1B8E;
	s22 =	sld [smem:$0x3FFE];
	[sflag:s21] =	ssyncadd.s32 $0xFFFFFFFF  }
0xa8: {  	s24 =	simm.s32 $execute0_lowered;
	[smem:$0x3FD2] =	sst s23  }
0xa9: {  	s3 =	sshll.u32 s24, $0x1;
	_ =	strace $0x80000058;
	[dreg:$0x1] =	wrdreg $0xFFFFFFFF  }
0xaa: {  	s25 =	simm.s32 $_size_execute0_lowered;
	s1 =	sadd.s32 s1, s3;
	[dreg:$0x0] =	wrdreg $0x0  }
0xab: {  	s3 =	sshll.u32 s25, $0x1;
	[dreg:$0x2] =	wrdreg s1  }
0xac: {  	[dreg:$0x3] =	wrdreg s3  }
0xad: {  	[dreg:$0x4] =	wrdreg $0xC0  }
0xae: {  	_ =	task [dreg:s5], $0x5FFFF  }
0xaf: {  	[dreg:$0x1] =	wrdreg $0xFFFFFFFF  }
0xb0: {  	[dreg:$0x0] =	wrdreg $0x60  }
0xb1: {  	[dreg:$0x2] =	wrdreg s22  }
0xb2: {  	[dreg:$0x3] =	wrdreg s14  }
0xb3: {  	[dreg:$0x4] =	wrdreg $0xA  }
0xb4: {  	_ =	task.clear_ibuf [dreg:s5], $0x5FFFF;
	_ =	strace $0x90000058  }
0xb5: {  	s26 =	simm.s32 $0xA;
	_ =	strace $0x8000005A  }
0xb6: {  	_ =	swait.ge [sflag:s26], $0x1  }
0xb7: {  	[sflag:s26] =	ssyncadd.s32 $0xFFFFFFFF  }
0xb8: {  	_ =	strace $0x9000005A  }
0xb9: {  	_ =	sfence  }
0xba: {  	s28 =	sld [smem:$0x0];
	_ =	sdelay $0x1  }
0xbb: {  	s29 =	srdreg.scid  }
0xbc: {  	s30 =	sshll.u32 s29, $0xD;
	s31 =	sshrl.u32 s29, $0x2  }
0xbd: {  	s2 =	sand.u32 $0x4000, s30;
	s1 =	sand.u32 $0x1, s29;
	s0 =	sadd.s32 s31, s28  }
0xbe: {  	s1 =	sor.u32 s2, s1;
	s0 =	sshll.u32 s0, $0x11  }
0xbf: {  	s0 =	sor.u32 s0, s1  }
0xc0: {  	s0 =	sadd.s32 $0x8F2B, s0  }
0xc1: {  	[sflag:s0] =	ssyncadd.remote.s32 $0x1  }
0xc2: {  	_ =	sfence.sel $0xFFFF  }
0xc3: {  	[dreg:$0x0] =	wrdreg $0xFFFFFFFF;
	(pc) =	sbr.abs _section_cstart, $3  }
0xc4: {  	[dreg:$0x1] =	wrdreg $0xFFFFFFFF  }
0xc5: {  	_ =	task.clear_ibuf [dreg:s5], $0x2FFFF;
	_ =	strace $0x9FFFFFFF  }
0xc6: {  	(tm) =	ssettm $0x7FFFFFFF  }
0xc7: {  	_ =	shalt  }
tec
execute0_lowered:
.L_overlay_start_1:
0x0: {  	(tag) =	ssettag $0x1  }
0x1: {  	s8 =	rddreg [dreg:$0x0]  }
0x2: {  	s2 =	rddreg [dreg:$0x1]  }
0x3: {  	s0 =	rddreg [dreg:$0x2]  }
0x4: {  	s1 =	stileid.u32;
	_ =	strace $0x80000059;
	s5 =	simm.s32 $0x1  }
0x5: {  	s6 =	simm.s32 $0x500;
	s9 =	simm.s32 $0x1;
	s10 =	simm.s32 $0x3  }
0x6: {  	s13 =	simm.s32 $0x0;
	s12 =	simm.s32 $0x0;
	s4 =	smul.u32 $0x50, s1  }
0x7: {  	s3 =	sadd.s32 $0xC00, s8;
	p0 =	slt.u32 s1, $0xA;
	[sflag:s5] =	ssyncpa.u1 $0x0  }
.Ltmp0:
0x8: {  	s6 =	simm.s32 @!p0 $0x0;
	s7 =	ssub.s32 $0x7D0, s4;
	(pc) =	sbr.rel .LBB2_1-.Ltmp0, $4  }
0x9: {  	s9 =	simm.s32 @!p0 $0x0;
	p0 =	sne.s32 s7, s6;
	s7 =	simm.s32 $0x1  }
0xa: {  	s8 =	sadd.s32 $0x1600, s8;
	s6 =	simm.s32 $0x2;
	s7 =	simm.s32 @!p0 $0x0  }
0xb: {  	s11 =	smov.u32 s4;
	[sflag:s6] =	ssyncpa.u1 $0x0;
	s7 =	sadd.s32 s9, s7  }
0xc: {  	vm0 =	vmmov $0xffff;
	[sflag:s10] =	ssyncpa.u1 $0x0;
	s10 =	simm.s32 $0x0;
	s9 =	sadd.s32 $0x1, s7  }
.LBB2_4:
0xd: {  	v2 =	vnsel vm1, $0x0, v2  }
0xe: {  	vm1 =	vgt.s32 v0, $0x0;
	v2 =	vmin.u32 v2, $0x2EFF  }
0xf: {  	v0 =	vnsel vm1, $0x0, v0  }
0x10: {  	v0 =	vmin.u32 v0, $0x2EFF  }
0x11: {  	[tilespmem:s18], [sflag:$0x1] =	stream.indirect_vreg.gather [hbm4b:s3+s10], $0x1, v1, vm0, $0x4038;
	[tilespmem:$0x140] =	vst v63  }
0x12: {  	(ifvalue) =	ssetifvalue $0x7FFFFFFF  }
0x13: {  	[tilespmem:s15], [sflag:$0x1] =	stream.indirect_vreg.gather [hbm4b:s3+s10], $0x1, v2, vm0, $0x4038;
	[tilespmem:$0x140] =	vst v63  }
0x14: {  	s29 =	sadd.s32 $0x10, s15;
	(ifvalue) =	ssetifvalue $0x7FFFFFFF  }
0x15: {  	[tilespmem:s29], [sflag:$0x1] =	stream.indirect_vreg.gather [hbm4b:s3+s10], $0x1, v0, vm0, $0x4038;
	[tilespmem:$0x140] =	vst v63  }
0x16: {  	_ =	swait.ge [sflag:s5], $0x50  }
0x17: {  	s30 =	sshrl.u32 s13, $0x3;
	[sflag:s5] =	ssyncset.done $0x0  }
0x18: {  	s31 =	sand.u32 $0x7, s13;
	s15 =	sadd.s32 s8, s30;
	[sflag:s5] =	ssyncadd.s32 $0xFFFFFFB0  }
0x19: {  	[hbm4b:s15+s31] =	stream.linear.scatter [tilespmem:s14], [sflag:$0x3], $0x50, $0x38;
	[tilespmem:$0x140] =	vst v63  }
.LBB2_5:
0x1a: {  	s15 =	sadd.s32 $0x500, s11  }
0x1b: {  	p1 =	sgt.s32 s15, $0x7CF  }
0x1c: {  	s15 =	smov.u32 @p1 s4;
	p1 =	sne.s32 s12, s9  }
.Ltmp1:
0x1d: {  	p0 =	slt.u32 s12, $0x2;
	(pc) =	sbr.rel @!p1 .LBB2_6-.Ltmp1, $4  }
0x1e: {  	s14 =	simm.s32 @!p0 $0x3  }
0x1f: {  	_ =	swait.ge @!p0 [sflag:s14], $0x50  }
0x20: {  	s16 =	sadd.s32 $0x1, s12;
	s13 =	smov.u32 s11;
	[sflag:s14] =	ssyncset.done @!p0 $0x0  }
0x21: {  	s12 =	smov.u32 s16;
	s11 =	smov.u32 s15;
	[sflag:s14] =	ssyncadd.s32 @!p0 $0xFFFFFFB0  }
.LBB2_1:
0x22: {  	p0 =	sge.u32 s12, s7  }
0x23: {  	s14 =	sxor.u32 @!p0 $0x1, s12  }
0x24: {  	s14 =	smul.u32 @!p0 $0x140, s14  }
0x25: {  	s31 =	sadd.s32 $0xFFFFFFFF, s12;
	s15 =	sshrl.u32 @!p0 s11, $0x3  }
0x26: {  	s16 =	sand.u32 @!p0 $0x7, s11;
	s15 =	sadd.s32 @!p0 s2, s15;
	s14 =	sshra.s32 @!p0 s14, $0x2  }
0x27: {  	[tilespmem:s14], [sflag:$0x2] =	stream.linear.gather @!p0 [hbm4b:s15+s16], $0x50, $0x38;
	[tilespmem:$0x140] =	vst v63  }
0x28: {  	p0 =	sge.u32 s31, s7  }
.Ltmp2:
0x29: {  	_ = 	snop;
	(pc) =	sbr.rel @p0 .LBB2_5-.Ltmp2, $1  }
0x2a: {  	_ =	sdelay $0x3  }
0x2b: {  	s14 =	sand.u32 $0x1, s12  }
0x2c: {  	_ =	swait.ge [sflag:s6], $0x50;
	p0 =	seq.s32 s14, $0x1;
	s14 =	simm.s32 $0x50  }
0x2d: {  	[sflag:s6] =	ssyncset.done $0x0;
	s14 =	simm.s32 @!p0 $0x0  }
0x2e: {  	[sflag:s6] =	ssyncadd.s32 $0xFFFFFFB0;
	(ifvalue) =	ssetifvalue $0x7FFFFFFF;
	v0 =	vld.msk [tilespmem:s14+$0x0 ss:$0x1], $0xffff;
	_ =	sdelay $0x4  }
0x2f: {  	s15 =	sadd.s32 $0x10, s14;
	vm1 =	vgt.s32 v0, $0x0  }
0x30: {  	v2 =	vld.msk [tilespmem:s15+$0x0 ss:$0x1], $0xffff;
	v1 =	vnsel vm1, $0x0, v0  }
0x31: {  	v1 =	vmin.u32 v1, $0x2EFF;
	_ =	sdelay $0x2  }
0x32: {  	s17 =	simm.s32 $0x20;
	s14 =	sor.u32 $0xA0, s14;
	s16 =	sadd.s32 $0x10, s15  }
0x33: {  	s15 =	sadd.s32 $0x10, s14;
	s18 =	smov.u32 s14;
	v0 =	vld.msk [tilespmem:s16+$0x0 ss:$0x1], $0xffff;
	vm1 =	vgt.s32 v2, $0x0;
	(ifvalue) =	ssetifvalue $0x7FFFFFFF  }
.LBB2_3:
0x34: {  	[tilespmem:s18], [sflag:$0x1] =	stream.indirect_vreg.gather [hbm4b:s3+s10], $0x1, v1, vm0, $0x4038;
	[tilespmem:$0x140] =	vst v63  }
0x35: {  	s17 =	sadd.s32 $0x10, s17  }
0x36: {  	v2 =	vnsel vm1, $0x0, v2;
	p0 =	slt.u32 s17, $0x40  }
.Ltmp3:
0x37: {  	s18 =	smov.u32 s15;
	v1 =	vmin.u32 v2, $0x2EFF;
	(pc) =	sbr.rel @p0 .LBB2_3-.Ltmp3, $3  }
0x38: {  	_ =	sdelay $0x1  }
0x39: {  	s16 =	sadd.s32 $0x10, s16  }
0x3a: {  	vm1 =	vgt.s32 v0, $0x0;
	s15 =	sadd.s32 $0x10, s15;
	v2 =	vmov v0;
	(ifvalue) =	ssetifvalue $0x7FFFFFFF;
	v0 =	vld.msk [tilespmem:s16+$0x0 ss:$0x1], $0xffff  }
.Ltmp4:
0x3b: {  	_ = 	snop;
	(pc) =	sbr.rel .LBB2_4-.Ltmp4, $1  }
0x3c: {  	_ =	sdelay $0x3  }
.LBB2_6:
0x3d: {  	_ =	sfence.sel $0x180000  }
0x3e: {  	s2 =	simm.s32 $0x2;
	[bflag:$0x0] =	sbarrier.arrive $0xFFFF  }
0x3f: {  	s30 =	simm.s32 $0x3;
	[sflag:s2] =	ssyncpa.u1 $0x1  }
0x40: {  	s31 =	simm.s32 $0x1;
	[sflag:s30] =	ssyncpa.u1 $0x1  }
0x41: {  	[sflag:s31] =	ssyncpa.u1 $0x1  }
0x42: {  	p0 =	sne.s32 s1, $0x0;
	_ =	strace $0x90000059  }
0x43: {  	s0 =	sadd.s32 @!p0 $0x100000, s0;
	[bflag:$0x2] =	sbarrier.arrive $0xFFFF  }
0x44: {  	[sflag:s0] =	ssyncadd.tile.s32 @!p0 $0x1;
	_ =	shalt  }
.Lfunc_end2:
_tile_overlayer_lowered:
.L_overlay_start_2:
0x45: {  	(tag) =	ssettag $0x2  }
0x46: {  	s0 =	rddreg [dreg:$0x0];
	s2 =	stileid.u32  }
0x47: {  	s1 =	rddreg [dreg:$0x1];
	p0 =	sne.s32 s2, $0x0  }
0x48: {  	s3 =	rddreg [dreg:$0x2];
	[bflag:$0x3] =	sbarrier.arrive $0xFFFF;
	s2 =	simm.s32 @!p0 $0x1C01  }
0x49: {  	[timem:s3], [sflag:s2] =	dma.local @!p0 [hbm:s0], s1  }
0x4a: {  	s0 =	simm.s32 @!p0 $0x1  }
0x4b: {  	_ =	swait.ge @!p0 [sflag:s0], s1  }
0x4c: {  	s1 =	ssub.s32 @!p0 $0x0, s1;
	[sflag:s0] =	ssyncset.done @!p0 $0x0  }
0x4d: {  	[sflag:s0] =	ssyncadd.s32 @!p0 s1  }
0x4e: {  	[bflag:$0x3] =	sbarrier.arrive $0xFFFF  }
0x4f: {  	_ =	shalt  }

// kernel: gather_offload_async_start.4
scs
__scs_entry_jumppad:
0x0: {  	(pc) =	sbr.rel $0x88, $3  }
0x1: {  	(tag) =	ssettag $0x0;
	lr =	simm.s32 $0x1  }
0x2: {  	[smem:$0x3F99] =	sst lr;
	_ =	strace $0xD0000000  }
0x3: {  	_ = 	snop  }
0x4: {  	_ = 	snop  }
0x5: {  	_ = 	snop  }
0x6: {  	_ = 	snop  }
0x7: {  	_ = 	snop  }
__scs_overlays_trampoline_lowered:
0x8: {  	[smem:$0x3FA8] =	sst s0  }
0x9: {  	[smem:$0x3FA9] =	sst s1  }
0xa: {  	[smem:$0x3FAA] =	sst s2  }
0xb: {  	[smem:$0x3FAB] =	sst s3  }
0xc: {  	[smem:$0x3FAC] =	sst s4  }
0xd: {  	[smem:$0x3FAD] =	sst s5  }
0xe: {  	[smem:$0x3FAE] =	sst s6  }
0xf: {  	[smem:$0x3FAF] =	sst s7  }
0x10: {  	[smem:$0x3FB0] =	sst s8  }
0x11: {  	[smem:$0x3FB1] =	sst s9;
	s0 =	simm.s32 @!p0 $0x0  }
0x12: {  	s1 =	sld [smem:$0x3F97];
	s0 =	simm.s32 @p0 $0x1  }
0x13: {  	[smem:$0x3FB2] =	sst s0;
	s0 =	simm.s32 @!p1 $0x0  }
0x14: {  	s2 =	sld [smem:$0x3F96];
	s0 =	simm.s32 @p1 $0x1  }
0x15: {  	[smem:$0x3FB3] =	sst s0;
	s0 =	simm.s32 @!p2 $0x0  }
0x16: {  	s3 =	sld [smem:$0x3FDB];
	s0 =	simm.s32 @p2 $0x1  }
0x17: {  	s4 =	simm.s32 $0x1BF5;
	[smem:$0x3FB5] =	sst s0  }
0x18: {  	s0 =	sld [smem:$0x3F98];
	_ =	swait.ge [sflag:s4], $0x0  }
0x19: {  	s7 =	sld [smem:$0x3F99]  }
0x1a: {  	s8 =	sadd.s32 $0xFFFFE003, lr  }
0x1b: {  	s9 =	sadd.s32 $0xFFFFFEF7, lr;
	s5 =	simm.s32 $0xFFFFFFFF;
	p2 =	slt.u32 s8, $0xFFFFF086  }
0x1c: {  	p1 =	slt.u32 s9, $0xF7A;
	s5 =	simm.s32 @!p2 $0x0  }
0x1d: {  	s5 =	simm.s32 @p1 $0x1;
	p0 =	seq.s32 s7, s2  }
0x1e: {  	s7 =	smul.u32 @!p0 $0xF7A, s2;
	p2 =	seq.s32 @!p0 s5, $0x0  }
0x1f: {  	s9 =	smul.u32 $0xF7A, s1;
	s8 =	simm.s32 @!p0 $0x1BF5;
	p2 =	por !p2, p0  }
0x20: {  	[sflag:s8] =	ssyncset.s32 @!p0 $0xFFFFF086;
	s6 =	sadd.s32 @!p0 s3, s7;
	s7 =	simm.s32 @!p0 $0x108  }
0x21: {  	s3 =	sadd.s32 s3, s9;
	s6 =	sadd.s32 @!p0 $0x88, s6;
	s7 =	simm.s32 @p2 $0x1082  }
0x22: {  	[simem:s7], [sflag:s8] =	dma.local @!p0 [hbm:s6], $0xF7A  }
0x23: {  	s9 =	sor.u32 $0xD0000000, s2;
	s6 =	simm.s32 $0x108;
	_ =	swait.ge @!p0 [sflag:s8], $0x0  }
0x24: {  	s3 =	sadd.s32 $0x88, s3;
	s6 =	simm.s32 @!p1 $0x1082;
	[sflag:s4] =	ssyncset.s32 $0xFFFFF086  }
0x25: {  	[simem:s6], [sflag:s4] =	dma.local [hbm:s3], $0xF7A  }
0x26: {  	[smem:$0x3F99] =	sst s1;
	(tag) =	ssettag s2;
	_ =	strace s9  }
0x27: {  	s1 =	sld [smem:$0x3FA9]  }
0x28: {  	s2 =	sld [smem:$0x3FAA]  }
0x29: {  	s4 =	sld [smem:$0x3FAC]  }
0x2a: {  	p0 =	seq.s32 s5, $0x0;
	s5 =	sld [smem:$0x3FAD]  }
0x2b: {  	s6 =	sld [smem:$0x3FAE]  }
0x2c: {  	s7 =	sld [smem:$0x3FAF]  }
0x2d: {  	s3 =	simm.s32 $0x108;
	s8 =	sld [smem:$0x3FB0]  }
0x2e: {  	s3 =	simm.s32 @!p0 $0x1082;
	s9 =	sld [smem:$0x3FB1]  }
0x2f: {  	lr =	sadd.s32 s0, s3;
	s0 =	sld [smem:$0x3FA8]  }
0x30: {  	s3 =	sld [smem:$0x3FAB]  }
0x31: {  	[smem:$0x3FB4] =	sst s10  }
0x32: {  	s10 =	sld [smem:$0x3FB2];
	_ =	sdelay $0x3  }
0x33: {  	p0 =	seq.s32 s10, $0x1;
	s10 =	sld [smem:$0x3FB4];
	_ =	sdelay $0x3  }
0x34: {  	[smem:$0x3FB4] =	sst s10  }
0x35: {  	s10 =	sld [smem:$0x3FB3];
	_ =	sdelay $0x3  }
0x36: {  	p1 =	seq.s32 s10, $0x1;
	s10 =	sld [smem:$0x3FB4];
	_ =	sdelay $0x3  }
0x37: {  	[smem:$0x3FB4] =	sst s10  }
0x38: {  	s10 =	sld [smem:$0x3FB5]  }
0x39: {  	_ = 	snop;
	(pc) =	sbr.ind lr, $3  }
0x3a: {  	_ = 	snop  }
0x3b: {  	_ = 	snop  }
0x3c: {  	p2 =	seq.s32 s10, $0x1;
	s10 =	sld [smem:$0x3FB4]  }
0x3d: {  	_ =	shalt  }
0x3e: {  	_ =	shalt  }
0x3f: {  	_ =	shalt  }
0x40: {  	_ =	shalt  }
0x41: {  	_ =	shalt  }
0x42: {  	_ =	shalt  }
0x43: {  	_ =	shalt  }
0x44: {  	_ =	shalt  }
0x45: {  	_ =	shalt  }
0x46: {  	_ =	shalt  }
0x47: {  	_ =	shalt  }
0x48: {  	_ =	shalt  }
0x49: {  	_ =	shalt  }
0x4a: {  	_ =	shalt  }
0x4b: {  	_ =	shalt  }
0x4c: {  	_ =	shalt  }
0x4d: {  	_ =	shalt  }
0x4e: {  	_ =	shalt  }
0x4f: {  	_ =	shalt  }
0x50: {  	_ =	shalt  }
0x51: {  	_ =	shalt  }
0x52: {  	_ =	shalt  }
0x53: {  	_ =	shalt  }
0x54: {  	_ =	shalt  }
0x55: {  	_ =	shalt  }
0x56: {  	_ =	shalt  }
0x57: {  	_ =	shalt  }
0x58: {  	_ =	shalt  }
0x59: {  	_ =	shalt  }
0x5a: {  	_ =	shalt  }
0x5b: {  	_ =	shalt  }
0x5c: {  	_ =	shalt  }
0x5d: {  	_ =	shalt  }
0x5e: {  	_ =	shalt  }
0x5f: {  	_ =	shalt  }
0x60: {  	_ =	shalt  }
0x61: {  	_ =	shalt  }
0x62: {  	_ =	shalt  }
0x63: {  	_ =	shalt  }
0x64: {  	_ =	shalt  }
0x65: {  	_ =	shalt  }
0x66: {  	_ =	shalt  }
0x67: {  	_ =	shalt  }
0x68: {  	_ =	shalt  }
0x69: {  	_ =	shalt  }
0x6a: {  	_ =	shalt  }
0x6b: {  	_ =	shalt  }
0x6c: {  	_ =	shalt  }
0x6d: {  	_ =	shalt  }
0x6e: {  	_ =	shalt  }
0x6f: {  	_ =	shalt  }
0x70: {  	_ =	shalt  }
0x71: {  	_ =	shalt  }
0x72: {  	_ =	shalt  }
0x73: {  	_ =	shalt  }
0x74: {  	_ =	shalt  }
0x75: {  	_ =	shalt  }
0x76: {  	_ =	shalt  }
0x77: {  	_ =	shalt  }
0x78: {  	_ =	shalt  }
0x79: {  	_ =	shalt  }
0x7a: {  	_ =	shalt  }
0x7b: {  	_ =	shalt  }
0x7c: {  	_ =	shalt  }
0x7d: {  	_ =	shalt  }
0x7e: {  	_ =	shalt  }
0x7f: {  	_ =	shalt  }
0x80: {  	_ =	shalt  }
0x81: {  	_ =	shalt  }
0x82: {  	_ =	shalt  }
0x83: {  	_ =	shalt  }
0x84: {  	_ =	shalt  }
0x85: {  	_ =	shalt  }
0x86: {  	_ =	shalt  }
0x87: {  	_ =	shalt  }
.Lfunc_end0:
.L_simem_size_0:
called_computation.5_lowered:
.L_overlay_start_0:
0x88: {  	s0 =	sld [smem:$0x3FD9]  }
0x89: {  	s1 =	sld [smem:$0x3FFE];
	_ =	sdelay $0x3  }
0x8a: {  	s0 =	sadd.s32 s1, s0  }
0x8b: {  	[smem:$0x3FC0] =	sst s0  }
0x8c: {  	_ = 	snop  }
0x8d: {  	s0 =	sld [smem:$0x3FD0];
	_ =	sdelay $0x2  }
0x8e: {  	s13 =	simm.s32 $0xD;
	s2 =	simm.s32 $0x10  }
0x8f: {  	[smem:s2], [sflag:s13] =	dma.local [hbm:s0], $0x1  }
0x90: {  	_ =	swait.eq [sflag:s13], $0x1  }
0x91: {  	[sflag:s13] =	ssyncset.done $0x0  }
0x92: {  	[sflag:s13] =	ssyncadd.s32 $0xFFFFFFFF  }
0x93: {  	s14 =	sld [smem:$0x12];
	(tm) =	ssettm $0x1  }
0x94: {  	s15 =	sld [smem:$0x3FFB];
	_ =	sdelay $0x3  }
0x95: {  	_ =	strace s15  }
0x96: {  	s1 =	sld [smem:$0x3FFC];
	_ =	sdelay $0x3  }
0x97: {  	_ =	strace s1  }
0x98: {  	s1 =	sld [smem:$0x3FFD];
	_ =	sdelay $0x3  }
0x99: {  	_ =	strace s1  }
0x9a: {  	_ =	strace $0x8FFFFFFF  }
0x9b: {  	s16 =	sld [smem:$0x3FDB];
	_ =	sdelay $0x1  }
0x9c: {  	s17 =	simm.s32 $_scs_section_size  }
0x9d: {  	s3 =	simm.s32 $_size__tile_overlayer_lowered;
	s4 =	simm.s32 $_tile_overlayer_lowered  }
0x9e: {  	s20 =	simm.s32 $0x1BFF;
	s19 =	sshll.u32 s4, $0x1;
	s1 =	sadd.s32 s17, s16  }
0x9f: {  	s5 =	simm.s32 $0x0;
	s18 =	sshll.u32 s3, $0x1;
	s3 =	sadd.s32 s19, s1  }
0xa0: {  	[timem:s5], [sflag:s20] =	dma.local [hbm:s3], s18  }
0xa1: {  	_ =	swait.ge [sflag:s20], s18  }
0xa2: {  	s2 =	ssub.s32 $0x0, s18;
	[sflag:s20] =	ssyncset.done $0x0  }
0xa3: {  	[sflag:s20] =	ssyncadd.s32 s2;
	_ =	sdelay $0x1  }
0xa4: {  	s21 =	simm.s32 $0x1B8B  }
0xa5: {  	_ =	swait.ge [sflag:s21], $0x1  }
0xa6: {  	[sflag:s21] =	ssyncset.done $0x0  }
0xa7: {  	s23 =	simm.s32 $0x1B8E;
	s22 =	sld [smem:$0x3FFE];
	[sflag:s21] =	ssyncadd.s32 $0xFFFFFFFF  }
0xa8: {  	s24 =	simm.s32 $execute0_lowered;
	[smem:$0x3FD2] =	sst s23  }
0xa9: {  	s3 =	sshll.u32 s24, $0x1;
	_ =	strace $0x80000055;
	[dreg:$0x1] =	wrdreg $0xFFFFFFFF  }
0xaa: {  	s25 =	simm.s32 $_size_execute0_lowered;
	s1 =	sadd.s32 s1, s3;
	[dreg:$0x0] =	wrdreg $0x0  }
0xab: {  	s3 =	sshll.u32 s25, $0x1;
	[dreg:$0x2] =	wrdreg s1  }
0xac: {  	[dreg:$0x3] =	wrdreg s3  }
0xad: {  	[dreg:$0x4] =	wrdreg $0xC0  }
0xae: {  	_ =	task [dreg:s5], $0x5FFFF  }
0xaf: {  	[dreg:$0x1] =	wrdreg $0xFFFFFFFF  }
0xb0: {  	[dreg:$0x0] =	wrdreg $0x60  }
0xb1: {  	[dreg:$0x2] =	wrdreg s22  }
0xb2: {  	[dreg:$0x3] =	wrdreg s14  }
0xb3: {  	[dreg:$0x4] =	wrdreg $0xB  }
0xb4: {  	_ =	task.clear_ibuf [dreg:s5], $0x5FFFF;
	_ =	strace $0x90000055  }
0xb5: {  	s26 =	simm.s32 $0xB;
	_ =	strace $0x80000057  }
0xb6: {  	_ =	swait.ge [sflag:s26], $0x1  }
0xb7: {  	[sflag:s26] =	ssyncadd.s32 $0xFFFFFFFF  }
0xb8: {  	_ =	strace $0x90000057  }
0xb9: {  	_ =	sfence  }
0xba: {  	s28 =	sld [smem:$0x0];
	_ =	sdelay $0x1  }
0xbb: {  	s29 =	srdreg.scid  }
0xbc: {  	s30 =	sshll.u32 s29, $0xD;
	s31 =	sshrl.u32 s29, $0x2  }
0xbd: {  	s2 =	sand.u32 $0x4000, s30;
	s1 =	sand.u32 $0x1, s29;
	s0 =	sadd.s32 s31, s28  }
0xbe: {  	s1 =	sor.u32 s2, s1;
	s0 =	sshll.u32 s0, $0x11  }
0xbf: {  	s0 =	sor.u32 s0, s1  }
0xc0: {  	s0 =	sadd.s32 $0x8F2B, s0  }
0xc1: {  	[sflag:s0] =	ssyncadd.remote.s32 $0x1  }
0xc2: {  	_ =	sfence.sel $0xFFFF  }
0xc3: {  	[dreg:$0x0] =	wrdreg $0xFFFFFFFF;
	(pc) =	sbr.abs _section_cstart, $3  }
0xc4: {  	[dreg:$0x1] =	wrdreg $0xFFFFFFFF  }
0xc5: {  	_ =	task.clear_ibuf [dreg:s5], $0x2FFFF;
	_ =	strace $0x9FFFFFFF  }
0xc6: {  	(tm) =	ssettm $0x7FFFFFFF  }
0xc7: {  	_ =	shalt  }
tec
execute0_lowered:
.L_overlay_start_1:
0x0: {  	(tag) =	ssettag $0x1  }
0x1: {  	s2 =	rddreg [dreg:$0x0]  }
0x2: {  	s3 =	rddreg [dreg:$0x1]  }
0x3: {  	s0 =	rddreg [dreg:$0x2];
	s1 =	stileid.u32;
	_ =	strace $0x80000056  }
0x4: {  	s5 =	simm.s32 $0x1;
	s6 =	simm.s32 $0x500;
	s8 =	simm.s32 $0x1  }
0x5: {  	s9 =	simm.s32 $0x3;
	s10 =	simm.s32 $0x0;
	s4 =	smul.u32 $0x50, s1  }
0x6: {  	s13 =	simm.s32 $0x0;
	s12 =	simm.s32 $0x0;
	p0 =	slt.u32 s1, $0xA  }
.Ltmp0:
0x7: {  	s6 =	simm.s32 @!p0 $0x0;
	s7 =	ssub.s32 $0x7D0, s4;
	(pc) =	sbr.rel .LBB2_1-.Ltmp0, $4  }
0x8: {  	s8 =	simm.s32 @!p0 $0x0;
	p0 =	sne.s32 s7, s6;
	s7 =	simm.s32 $0x1  }
0x9: {  	[sflag:s5] =	ssyncpa.u1 $0x0;
	s6 =	simm.s32 $0x2;
	s7 =	simm.s32 @!p0 $0x0  }
0xa: {  	s11 =	smov.u32 s4;
	[sflag:s6] =	ssyncpa.u1 $0x0;
	s7 =	sadd.s32 s8, s7  }
0xb: {  	vm0 =	vmmov $0xffff;
	s8 =	sadd.s32 $0x1400, s2;
	[sflag:s9] =	ssyncpa.u1 $0x0;
	s9 =	sadd.s32 $0x1, s7  }
.LBB2_4:
0xc: {  	v2 =	vnsel vm1, $0x0, v2  }
0xd: {  	vm1 =	vgt.s32 v0, $0x0;
	v2 =	vmin.u32 v2, $0x2EFF  }
0xe: {  	v0 =	vnsel vm1, $0x0, v0  }
0xf: {  	v0 =	vmin.u32 v0, $0x2EFF  }
0x10: {  	[tilespmem:s18], [sflag:$0x1] =	stream.indirect_vreg.gather [hbm4b:s2+s10], $0x1, v1, vm0, $0x4038;
	[tilespmem:$0x140] =	vst v63  }
0x11: {  	(ifvalue) =	ssetifvalue $0x7FFFFFFF  }
0x12: {  	[tilespmem:s15], [sflag:$0x1] =	stream.indirect_vreg.gather [hbm4b:s2+s10], $0x1, v2, vm0, $0x4038;
	[tilespmem:$0x140] =	vst v63  }
0x13: {  	s29 =	sadd.s32 $0x10, s15;
	(ifvalue) =	ssetifvalue $0x7FFFFFFF  }
0x14: {  	[tilespmem:s29], [sflag:$0x1] =	stream.indirect_vreg.gather [hbm4b:s2+s10], $0x1, v0, vm0, $0x4038;
	[tilespmem:$0x140] =	vst v63  }
0x15: {  	_ =	swait.ge [sflag:s5], $0x50  }
0x16: {  	s30 =	sshrl.u32 s13, $0x3;
	[sflag:s5] =	ssyncset.done $0x0  }
0x17: {  	s31 =	sand.u32 $0x7, s13;
	s15 =	sadd.s32 s8, s30;
	[sflag:s5] =	ssyncadd.s32 $0xFFFFFFB0  }
0x18: {  	[hbm4b:s15+s31] =	stream.linear.scatter [tilespmem:s14], [sflag:$0x3], $0x50, $0x38;
	[tilespmem:$0x140] =	vst v63  }
.LBB2_5:
0x19: {  	s15 =	sadd.s32 $0x500, s11  }
0x1a: {  	p1 =	sgt.s32 s15, $0x7CF  }
0x1b: {  	s15 =	smov.u32 @p1 s4;
	p1 =	sne.s32 s12, s9  }
.Ltmp1:
0x1c: {  	p0 =	slt.u32 s12, $0x2;
	(pc) =	sbr.rel @!p1 .LBB2_6-.Ltmp1, $4  }
0x1d: {  	s14 =	simm.s32 @!p0 $0x3  }
0x1e: {  	_ =	swait.ge @!p0 [sflag:s14], $0x50  }
0x1f: {  	s16 =	sadd.s32 $0x1, s12;
	s13 =	smov.u32 s11;
	[sflag:s14] =	ssyncset.done @!p0 $0x0  }
0x20: {  	s12 =	smov.u32 s16;
	s11 =	smov.u32 s15;
	[sflag:s14] =	ssyncadd.s32 @!p0 $0xFFFFFFB0  }
.LBB2_1:
0x21: {  	p0 =	sge.u32 s12, s7  }
0x22: {  	s14 =	sxor.u32 @!p0 $0x1, s12  }
0x23: {  	s14 =	smul.u32 @!p0 $0x140, s14  }
0x24: {  	s31 =	sadd.s32 $0xFFFFFFFF, s12;
	s15 =	sshrl.u32 @!p0 s11, $0x3  }
0x25: {  	s16 =	sand.u32 @!p0 $0x7, s11;
	s15 =	sadd.s32 @!p0 s3, s15;
	s14 =	sshra.s32 @!p0 s14, $0x2  }
0x26: {  	[tilespmem:s14], [sflag:$0x2] =	stream.linear.gather @!p0 [hbm4b:s15+s16], $0x50, $0x38;
	[tilespmem:$0x140] =	vst v63  }
0x27: {  	p0 =	sge.u32 s31, s7  }
.Ltmp2:
0x28: {  	_ = 	snop;
	(pc) =	sbr.rel @p0 .LBB2_5-.Ltmp2, $1  }
0x29: {  	_ =	sdelay $0x3  }
0x2a: {  	s14 =	sand.u32 $0x1, s12  }
0x2b: {  	_ =	swait.ge [sflag:s6], $0x50;
	p0 =	seq.s32 s14, $0x1;
	s14 =	simm.s32 $0x50  }
0x2c: {  	[sflag:s6] =	ssyncset.done $0x0;
	s14 =	simm.s32 @!p0 $0x0  }
0x2d: {  	[sflag:s6] =	ssyncadd.s32 $0xFFFFFFB0;
	(ifvalue) =	ssetifvalue $0x7FFFFFFF;
	v0 =	vld.msk [tilespmem:s14+$0x0 ss:$0x1], $0xffff;
	_ =	sdelay $0x4  }
0x2e: {  	s15 =	sadd.s32 $0x10, s14;
	vm1 =	vgt.s32 v0, $0x0  }
0x2f: {  	v2 =	vld.msk [tilespmem:s15+$0x0 ss:$0x1], $0xffff;
	v1 =	vnsel vm1, $0x0, v0  }
0x30: {  	v1 =	vmin.u32 v1, $0x2EFF;
	_ =	sdelay $0x2  }
0x31: {  	s17 =	simm.s32 $0x20;
	s14 =	sor.u32 $0xA0, s14;
	s16 =	sadd.s32 $0x10, s15  }
0x32: {  	s15 =	sadd.s32 $0x10, s14;
	s18 =	smov.u32 s14;
	v0 =	vld.msk [tilespmem:s16+$0x0 ss:$0x1], $0xffff;
	vm1 =	vgt.s32 v2, $0x0;
	(ifvalue) =	ssetifvalue $0x7FFFFFFF  }
.LBB2_3:
0x33: {  	[tilespmem:s18], [sflag:$0x1] =	stream.indirect_vreg.gather [hbm4b:s2+s10], $0x1, v1, vm0, $0x4038;
	[tilespmem:$0x140] =	vst v63  }
0x34: {  	s17 =	sadd.s32 $0x10, s17  }
0x35: {  	v2 =	vnsel vm1, $0x0, v2;
	p0 =	slt.u32 s17, $0x40  }
.Ltmp3:
0x36: {  	s18 =	smov.u32 s15;
	v1 =	vmin.u32 v2, $0x2EFF;
	(pc) =	sbr.rel @p0 .LBB2_3-.Ltmp3, $3  }
0x37: {  	_ =	sdelay $0x1  }
0x38: {  	s16 =	sadd.s32 $0x10, s16  }
0x39: {  	vm1 =	vgt.s32 v0, $0x0;
	s15 =	sadd.s32 $0x10, s15;
	v2 =	vmov v0;
	(ifvalue) =	ssetifvalue $0x7FFFFFFF;
	v0 =	vld.msk [tilespmem:s16+$0x0 ss:$0x1], $0xffff  }
.Ltmp4:
0x3a: {  	_ = 	snop;
	(pc) =	sbr.rel .LBB2_4-.Ltmp4, $1  }
0x3b: {  	_ =	sdelay $0x3  }
.LBB2_6:
0x3c: {  	_ =	sfence.sel $0x180000  }
0x3d: {  	s2 =	simm.s32 $0x2;
	[bflag:$0x0] =	sbarrier.arrive $0xFFFF  }
0x3e: {  	s30 =	simm.s32 $0x3;
	[sflag:s2] =	ssyncpa.u1 $0x1  }
0x3f: {  	s31 =	simm.s32 $0x1;
	[sflag:s30] =	ssyncpa.u1 $0x1  }
0x40: {  	[sflag:s31] =	ssyncpa.u1 $0x1  }
0x41: {  	p0 =	sne.s32 s1, $0x0;
	_ =	strace $0x90000056  }
0x42: {  	s0 =	sadd.s32 @!p0 $0x100000, s0;
	[bflag:$0x2] =	sbarrier.arrive $0xFFFF  }
0x43: {  	[sflag:s0] =	ssyncadd.tile.s32 @!p0 $0x1;
	_ =	shalt  }
.Lfunc_end2:
_tile_overlayer_lowered:
.L_overlay_start_2:
0x44: {  	(tag) =	ssettag $0x2  }
0x45: {  	s0 =	rddreg [dreg:$0x0];
	s2 =	stileid.u32  }
0x46: {  	s1 =	rddreg [dreg:$0x1];
	p0 =	sne.s32 s2, $0x0  }
0x47: {  	s3 =	rddreg [dreg:$0x2];
	[bflag:$0x3] =	sbarrier.arrive $0xFFFF;
	s2 =	simm.s32 @!p0 $0x1C01  }
0x48: {  	[timem:s3], [sflag:s2] =	dma.local @!p0 [hbm:s0], s1  }
0x49: {  	s0 =	simm.s32 @!p0 $0x1  }
0x4a: {  	_ =	swait.ge @!p0 [sflag:s0], s1  }
0x4b: {  	s1 =	ssub.s32 @!p0 $0x0, s1;
	[sflag:s0] =	ssyncset.done @!p0 $0x0  }
0x4c: {  	[sflag:s0] =	ssyncadd.s32 @!p0 s1  }
0x4d: {  	[bflag:$0x3] =	sbarrier.arrive $0xFFFF  }
0x4e: {  	_ =	shalt  }

// kernel: gather_offload_async_start.5
scs
__scs_entry_jumppad:
0x0: {  	(pc) =	sbr.rel $0x88, $3  }
0x1: {  	(tag) =	ssettag $0x0;
	lr =	simm.s32 $0x1  }
0x2: {  	[smem:$0x3F99] =	sst lr;
	_ =	strace $0xD0000000  }
0x3: {  	_ = 	snop  }
0x4: {  	_ = 	snop  }
0x5: {  	_ = 	snop  }
0x6: {  	_ = 	snop  }
0x7: {  	_ = 	snop  }
__scs_overlays_trampoline_lowered:
0x8: {  	[smem:$0x3FA8] =	sst s0  }
0x9: {  	[smem:$0x3FA9] =	sst s1  }
0xa: {  	[smem:$0x3FAA] =	sst s2  }
0xb: {  	[smem:$0x3FAB] =	sst s3  }
0xc: {  	[smem:$0x3FAC] =	sst s4  }
0xd: {  	[smem:$0x3FAD] =	sst s5  }
0xe: {  	[smem:$0x3FAE] =	sst s6  }
0xf: {  	[smem:$0x3FAF] =	sst s7  }
0x10: {  	[smem:$0x3FB0] =	sst s8  }
0x11: {  	[smem:$0x3FB1] =	sst s9;
	s0 =	simm.s32 @!p0 $0x0  }
0x12: {  	s1 =	sld [smem:$0x3F97];
	s0 =	simm.s32 @p0 $0x1  }
0x13: {  	[smem:$0x3FB2] =	sst s0;
	s0 =	simm.s32 @!p1 $0x0  }
0x14: {  	s2 =	sld [smem:$0x3F96];
	s0 =	simm.s32 @p1 $0x1  }
0x15: {  	[smem:$0x3FB3] =	sst s0;
	s0 =	simm.s32 @!p2 $0x0  }
0x16: {  	s3 =	sld [smem:$0x3FDB];
	s0 =	simm.s32 @p2 $0x1  }
0x17: {  	s4 =	simm.s32 $0x1BF5;
	[smem:$0x3FB5] =	sst s0  }
0x18: {  	s0 =	sld [smem:$0x3F98];
	_ =	swait.ge [sflag:s4], $0x0  }
0x19: {  	s7 =	sld [smem:$0x3F99]  }
0x1a: {  	s8 =	sadd.s32 $0xFFFFE003, lr  }
0x1b: {  	s9 =	sadd.s32 $0xFFFFFEF7, lr;
	s5 =	simm.s32 $0xFFFFFFFF;
	p2 =	slt.u32 s8, $0xFFFFF086  }
0x1c: {  	p1 =	slt.u32 s9, $0xF7A;
	s5 =	simm.s32 @!p2 $0x0  }
0x1d: {  	s5 =	simm.s32 @p1 $0x1;
	p0 =	seq.s32 s7, s2  }
0x1e: {  	s7 =	smul.u32 @!p0 $0xF7A, s2;
	p2 =	seq.s32 @!p0 s5, $0x0  }
0x1f: {  	s9 =	smul.u32 $0xF7A, s1;
	s8 =	simm.s32 @!p0 $0x1BF5;
	p2 =	por !p2, p0  }
0x20: {  	[sflag:s8] =	ssyncset.s32 @!p0 $0xFFFFF086;
	s6 =	sadd.s32 @!p0 s3, s7;
	s7 =	simm.s32 @!p0 $0x108  }
0x21: {  	s3 =	sadd.s32 s3, s9;
	s6 =	sadd.s32 @!p0 $0x88, s6;
	s7 =	simm.s32 @p2 $0x1082  }
0x22: {  	[simem:s7], [sflag:s8] =	dma.local @!p0 [hbm:s6], $0xF7A  }
0x23: {  	s9 =	sor.u32 $0xD0000000, s2;
	s6 =	simm.s32 $0x108;
	_ =	swait.ge @!p0 [sflag:s8], $0x0  }
0x24: {  	s3 =	sadd.s32 $0x88, s3;
	s6 =	simm.s32 @!p1 $0x1082;
	[sflag:s4] =	ssyncset.s32 $0xFFFFF086  }
0x25: {  	[simem:s6], [sflag:s4] =	dma.local [hbm:s3], $0xF7A  }
0x26: {  	[smem:$0x3F99] =	sst s1;
	(tag) =	ssettag s2;
	_ =	strace s9  }
0x27: {  	s1 =	sld [smem:$0x3FA9]  }
0x28: {  	s2 =	sld [smem:$0x3FAA]  }
0x29: {  	s4 =	sld [smem:$0x3FAC]  }
0x2a: {  	p0 =	seq.s32 s5, $0x0;
	s5 =	sld [smem:$0x3FAD]  }
0x2b: {  	s6 =	sld [smem:$0x3FAE]  }
0x2c: {  	s7 =	sld [smem:$0x3FAF]  }
0x2d: {  	s3 =	simm.s32 $0x108;
	s8 =	sld [smem:$0x3FB0]  }
0x2e: {  	s3 =	simm.s32 @!p0 $0x1082;
	s9 =	sld [smem:$0x3FB1]  }
0x2f: {  	lr =	sadd.s32 s0, s3;
	s0 =	sld [smem:$0x3FA8]  }
0x30: {  	s3 =	sld [smem:$0x3FAB]  }
0x31: {  	[smem:$0x3FB4] =	sst s10  }
0x32: {  	s10 =	sld [smem:$0x3FB2];
	_ =	sdelay $0x3  }
0x33: {  	p0 =	seq.s32 s10, $0x1;
	s10 =	sld [smem:$0x3FB4];
	_ =	sdelay $0x3  }
0x34: {  	[smem:$0x3FB4] =	sst s10  }
0x35: {  	s10 =	sld [smem:$0x3FB3];
	_ =	sdelay $0x3  }
0x36: {  	p1 =	seq.s32 s10, $0x1;
	s10 =	sld [smem:$0x3FB4];
	_ =	sdelay $0x3  }
0x37: {  	[smem:$0x3FB4] =	sst s10  }
0x38: {  	s10 =	sld [smem:$0x3FB5]  }
0x39: {  	_ = 	snop;
	(pc) =	sbr.ind lr, $3  }
0x3a: {  	_ = 	snop  }
0x3b: {  	_ = 	snop  }
0x3c: {  	p2 =	seq.s32 s10, $0x1;
	s10 =	sld [smem:$0x3FB4]  }
0x3d: {  	_ =	shalt  }
0x3e: {  	_ =	shalt  }
0x3f: {  	_ =	shalt  }
0x40: {  	_ =	shalt  }
0x41: {  	_ =	shalt  }
0x42: {  	_ =	shalt  }
0x43: {  	_ =	shalt  }
0x44: {  	_ =	shalt  }
0x45: {  	_ =	shalt  }
0x46: {  	_ =	shalt  }
0x47: {  	_ =	shalt  }
0x48: {  	_ =	shalt  }
0x49: {  	_ =	shalt  }
0x4a: {  	_ =	shalt  }
0x4b: {  	_ =	shalt  }
0x4c: {  	_ =	shalt  }
0x4d: {  	_ =	shalt  }
0x4e: {  	_ =	shalt  }
0x4f: {  	_ =	shalt  }
0x50: {  	_ =	shalt  }
0x51: {  	_ =	shalt  }
0x52: {  	_ =	shalt  }
0x53: {  	_ =	shalt  }
0x54: {  	_ =	shalt  }
0x55: {  	_ =	shalt  }
0x56: {  	_ =	shalt  }
0x57: {  	_ =	shalt  }
0x58: {  	_ =	shalt  }
0x59: {  	_ =	shalt  }
0x5a: {  	_ =	shalt  }
0x5b: {  	_ =	shalt  }
0x5c: {  	_ =	shalt  }
0x5d: {  	_ =	shalt  }
0x5e: {  	_ =	shalt  }
0x5f: {  	_ =	shalt  }
0x60: {  	_ =	shalt  }
0x61: {  	_ =	shalt  }
0x62: {  	_ =	shalt  }
0x63: {  	_ =	shalt  }
0x64: {  	_ =	shalt  }
0x65: {  	_ =	shalt  }
0x66: {  	_ =	shalt  }
0x67: {  	_ =	shalt  }
0x68: {  	_ =	shalt  }
0x69: {  	_ =	shalt  }
0x6a: {  	_ =	shalt  }
0x6b: {  	_ =	shalt  }
0x6c: {  	_ =	shalt  }
0x6d: {  	_ =	shalt  }
0x6e: {  	_ =	shalt  }
0x6f: {  	_ =	shalt  }
0x70: {  	_ =	shalt  }
0x71: {  	_ =	shalt  }
0x72: {  	_ =	shalt  }
0x73: {  	_ =	shalt  }
0x74: {  	_ =	shalt  }
0x75: {  	_ =	shalt  }
0x76: {  	_ =	shalt  }
0x77: {  	_ =	shalt  }
0x78: {  	_ =	shalt  }
0x79: {  	_ =	shalt  }
0x7a: {  	_ =	shalt  }
0x7b: {  	_ =	shalt  }
0x7c: {  	_ =	shalt  }
0x7d: {  	_ =	shalt  }
0x7e: {  	_ =	shalt  }
0x7f: {  	_ =	shalt  }
0x80: {  	_ =	shalt  }
0x81: {  	_ =	shalt  }
0x82: {  	_ =	shalt  }
0x83: {  	_ =	shalt  }
0x84: {  	_ =	shalt  }
0x85: {  	_ =	shalt  }
0x86: {  	_ =	shalt  }
0x87: {  	_ =	shalt  }
.Lfunc_end0:
.L_simem_size_0:
called_computation.6_lowered:
.L_overlay_start_0:
0x88: {  	s0 =	sld [smem:$0x3FD9]  }
0x89: {  	s1 =	sld [smem:$0x3FFE];
	_ =	sdelay $0x3  }
0x8a: {  	s0 =	sadd.s32 s1, s0  }
0x8b: {  	[smem:$0x3FC0] =	sst s0  }
0x8c: {  	_ = 	snop  }
0x8d: {  	s0 =	sld [smem:$0x3FD0];
	_ =	sdelay $0x2  }
0x8e: {  	s13 =	simm.s32 $0xD;
	s2 =	simm.s32 $0x10  }
0x8f: {  	[smem:s2], [sflag:s13] =	dma.local [hbm:s0], $0x1  }
0x90: {  	_ =	swait.eq [sflag:s13], $0x1  }
0x91: {  	[sflag:s13] =	ssyncset.done $0x0  }
0x92: {  	s14 =	sld [smem:$0x12];
	[sflag:s13] =	ssyncadd.s32 $0xFFFFFFFF  }
0x93: {  	s15 =	sld [smem:$0x14];
	(tm) =	ssettm $0x1  }
0x94: {  	s16 =	sld [smem:$0x3FFB];
	_ =	sdelay $0x3  }
0x95: {  	_ =	strace s16  }
0x96: {  	s2 =	sld [smem:$0x3FFC];
	_ =	sdelay $0x3  }
0x97: {  	_ =	strace s2  }
0x98: {  	s2 =	sld [smem:$0x3FFD];
	_ =	sdelay $0x3  }
0x99: {  	_ =	strace s2  }
0x9a: {  	_ =	strace $0x8FFFFFFF  }
0x9b: {  	s17 =	sld [smem:$0x3FDB];
	_ =	sdelay $0x1  }
0x9c: {  	s3 =	simm.s32 $_scs_section_size  }
0x9d: {  	s4 =	simm.s32 $_size__tile_overlayer_lowered;
	s5 =	simm.s32 $_tile_overlayer_lowered  }
0x9e: {  	s20 =	simm.s32 $0x1BFF;
	s19 =	sshll.u32 s5, $0x1;
	s2 =	sadd.s32 s3, s17  }
0x9f: {  	s6 =	simm.s32 $0x0;
	s18 =	sshll.u32 s4, $0x1;
	s4 =	sadd.s32 s19, s2  }
0xa0: {  	[timem:s6], [sflag:s20] =	dma.local [hbm:s4], s18  }
0xa1: {  	_ =	swait.ge [sflag:s20], s18  }
0xa2: {  	s3 =	ssub.s32 $0x0, s18;
	[sflag:s20] =	ssyncset.done $0x0  }
0xa3: {  	[sflag:s20] =	ssyncadd.s32 s3;
	_ =	sdelay $0x1  }
0xa4: {  	s21 =	simm.s32 $0x1B8B  }
0xa5: {  	_ =	swait.ge [sflag:s21], $0x1  }
0xa6: {  	[sflag:s21] =	ssyncset.done $0x0  }
0xa7: {  	s23 =	simm.s32 $0x1B8E;
	s22 =	sld [smem:$0x3FFE];
	[sflag:s21] =	ssyncadd.s32 $0xFFFFFFFF  }
0xa8: {  	s24 =	simm.s32 $execute0_lowered;
	[smem:$0x3FD2] =	sst s23  }
0xa9: {  	s4 =	sshll.u32 s24, $0x1;
	_ =	strace $0x80000052;
	[dreg:$0x1] =	wrdreg $0xFFFFFFFF  }
0xaa: {  	s25 =	simm.s32 $_size_execute0_lowered;
	s2 =	sadd.s32 s2, s4;
	[dreg:$0x0] =	wrdreg $0x0  }
0xab: {  	s4 =	sshll.u32 s25, $0x1;
	[dreg:$0x2] =	wrdreg s2  }
0xac: {  	[dreg:$0x3] =	wrdreg s4  }
0xad: {  	[dreg:$0x4] =	wrdreg $0xC0  }
0xae: {  	_ =	task [dreg:s6], $0x5FFFF  }
0xaf: {  	[dreg:$0x1] =	wrdreg $0xFFFFFFFF  }
0xb0: {  	[dreg:$0x0] =	wrdreg $0x60  }
0xb1: {  	[dreg:$0x2] =	wrdreg s15  }
0xb2: {  	[dreg:$0x3] =	wrdreg s14  }
0xb3: {  	[dreg:$0x4] =	wrdreg s22  }
0xb4: {  	[dreg:$0x5] =	wrdreg $0xC  }
0xb5: {  	_ =	task.clear_ibuf [dreg:s6], $0x6FFFF;
	_ =	strace $0x90000052  }
0xb6: {  	s26 =	simm.s32 $0xC;
	_ =	strace $0x80000054  }
0xb7: {  	_ =	swait.ge [sflag:s26], $0x1  }
0xb8: {  	[sflag:s26] =	ssyncadd.s32 $0xFFFFFFFF  }
0xb9: {  	_ =	strace $0x90000054  }
0xba: {  	_ =	sfence  }
0xbb: {  	s28 =	sld [smem:$0x0];
	_ =	sdelay $0x1  }
0xbc: {  	s29 =	srdreg.scid  }
0xbd: {  	s30 =	sshll.u32 s29, $0xD;
	s31 =	sshrl.u32 s29, $0x2  }
0xbe: {  	s1 =	sand.u32 $0x1, s29;
	s2 =	sand.u32 $0x4000, s30;
	s0 =	sadd.s32 s31, s28  }
0xbf: {  	s1 =	sor.u32 s2, s1;
	s0 =	sshll.u32 s0, $0x11  }
0xc0: {  	s0 =	sor.u32 s0, s1  }
0xc1: {  	s0 =	sadd.s32 $0x8F2B, s0  }
0xc2: {  	[sflag:s0] =	ssyncadd.remote.s32 $0x1  }
0xc3: {  	_ =	sfence.sel $0xFFFF  }
0xc4: {  	[dreg:$0x0] =	wrdreg $0xFFFFFFFF;
	(pc) =	sbr.abs _section_cstart, $3  }
0xc5: {  	[dreg:$0x1] =	wrdreg $0xFFFFFFFF  }
0xc6: {  	_ =	task.clear_ibuf [dreg:s6], $0x2FFFF;
	_ =	strace $0x9FFFFFFF  }
0xc7: {  	(tm) =	ssettm $0x7FFFFFFF  }
tec
execute0_lowered:
.L_overlay_start_1:
0x0: {  	(tag) =	ssettag $0x1  }
0x1: {  	s2 =	rddreg [dreg:$0x0]  }
0x2: {  	s3 =	rddreg [dreg:$0x1]  }
0x3: {  	s8 =	rddreg [dreg:$0x2]  }
0x4: {  	s0 =	rddreg [dreg:$0x3];
	s1 =	stileid.u32;
	_ =	strace $0x80000053  }
0x5: {  	s5 =	simm.s32 $0x1;
	s6 =	simm.s32 $0x500;
	s9 =	simm.s32 $0x1  }
0x6: {  	s10 =	simm.s32 $0x3;
	s13 =	simm.s32 $0x0;
	s4 =	smul.u32 $0x50, s1  }
0x7: {  	s12 =	simm.s32 $0x0;
	p0 =	slt.u32 s1, $0xA;
	[sflag:s5] =	ssyncpa.u1 $0x0  }
.Ltmp0:
0x8: {  	s6 =	simm.s32 @!p0 $0x0;
	s7 =	ssub.s32 $0x7D0, s4;
	(pc) =	sbr.rel .LBB2_1-.Ltmp0, $4  }
0x9: {  	s9 =	simm.s32 @!p0 $0x0;
	p0 =	sne.s32 s7, s6;
	s7 =	simm.s32 $0x1  }
0xa: {  	s8 =	sadd.s32 $0x1200, s8;
	s6 =	simm.s32 $0x2;
	s7 =	simm.s32 @!p0 $0x0  }
0xb: {  	s11 =	smov.u32 s4;
	[sflag:s6] =	ssyncpa.u1 $0x0;
	s7 =	sadd.s32 s9, s7  }
0xc: {  	vm0 =	vmmov $0xffff;
	[sflag:s10] =	ssyncpa.u1 $0x0;
	s10 =	simm.s32 $0x0;
	s9 =	sadd.s32 $0x1, s7  }
.LBB2_4:
0xd: {  	v2 =	vnsel vm1, $0x0, v2  }
0xe: {  	vm1 =	vgt.s32 v0, $0x0;
	v2 =	vmin.u32 v2, $0x2EFF  }
0xf: {  	v0 =	vnsel vm1, $0x0, v0  }
0x10: {  	v0 =	vmin.u32 v0, $0x2EFF  }
0x11: {  	[tilespmem:s18], [sflag:$0x1] =	stream.indirect_vreg.gather [hbm4b:s2+s10], $0x1, v1, vm0, $0x4038;
	[tilespmem:$0x140] =	vst v63  }
0x12: {  	(ifvalue) =	ssetifvalue $0x7FFFFFFF  }
0x13: {  	[tilespmem:s15], [sflag:$0x1] =	stream.indirect_vreg.gather [hbm4b:s2+s10], $0x1, v2, vm0, $0x4038;
	[tilespmem:$0x140] =	vst v63  }
0x14: {  	s29 =	sadd.s32 $0x10, s15;
	(ifvalue) =	ssetifvalue $0x7FFFFFFF  }
0x15: {  	[tilespmem:s29], [sflag:$0x1] =	stream.indirect_vreg.gather [hbm4b:s2+s10], $0x1, v0, vm0, $0x4038;
	[tilespmem:$0x140] =	vst v63  }
0x16: {  	_ =	swait.ge [sflag:s5], $0x50  }
0x17: {  	s30 =	sshrl.u32 s13, $0x3;
	[sflag:s5] =	ssyncset.done $0x0  }
0x18: {  	s31 =	sand.u32 $0x7, s13;
	s15 =	sadd.s32 s8, s30;
	[sflag:s5] =	ssyncadd.s32 $0xFFFFFFB0  }
0x19: {  	[hbm4b:s15+s31] =	stream.linear.scatter [tilespmem:s14], [sflag:$0x3], $0x50, $0x38;
	[tilespmem:$0x140] =	vst v63  }
.LBB2_5:
0x1a: {  	s15 =	sadd.s32 $0x500, s11  }
0x1b: {  	p1 =	sgt.s32 s15, $0x7CF  }
0x1c: {  	s15 =	smov.u32 @p1 s4;
	p1 =	sne.s32 s12, s9  }
.Ltmp1:
0x1d: {  	p0 =	slt.u32 s12, $0x2;
	(pc) =	sbr.rel @!p1 .LBB2_6-.Ltmp1, $4  }
0x1e: {  	s14 =	simm.s32 @!p0 $0x3  }
0x1f: {  	_ =	swait.ge @!p0 [sflag:s14], $0x50  }
0x20: {  	s16 =	sadd.s32 $0x1, s12;
	s13 =	smov.u32 s11;
	[sflag:s14] =	ssyncset.done @!p0 $0x0  }
0x21: {  	s12 =	smov.u32 s16;
	s11 =	smov.u32 s15;
	[sflag:s14] =	ssyncadd.s32 @!p0 $0xFFFFFFB0  }
.LBB2_1:
0x22: {  	p0 =	sge.u32 s12, s7  }
0x23: {  	s14 =	sxor.u32 @!p0 $0x1, s12  }
0x24: {  	s14 =	smul.u32 @!p0 $0x140, s14  }
0x25: {  	s31 =	sadd.s32 $0xFFFFFFFF, s12;
	s15 =	sshrl.u32 @!p0 s11, $0x3  }
0x26: {  	s16 =	sand.u32 @!p0 $0x7, s11;
	s15 =	sadd.s32 @!p0 s3, s15;
	s14 =	sshra.s32 @!p0 s14, $0x2  }
0x27: {  	[tilespmem:s14], [sflag:$0x2] =	stream.linear.gather @!p0 [hbm4b:s15+s16], $0x50, $0x38;
	[tilespmem:$0x140] =	vst v63  }
0x28: {  	p0 =	sge.u32 s31, s7  }
.Ltmp2:
0x29: {  	_ = 	snop;
	(pc) =	sbr.rel @p0 .LBB2_5-.Ltmp2, $1  }
0x2a: {  	_ =	sdelay $0x3  }
0x2b: {  	s14 =	sand.u32 $0x1, s12  }
0x2c: {  	_ =	swait.ge [sflag:s6], $0x50;
	p0 =	seq.s32 s14, $0x1;
	s14 =	simm.s32 $0x50  }
0x2d: {  	[sflag:s6] =	ssyncset.done $0x0;
	s14 =	simm.s32 @!p0 $0x0  }
0x2e: {  	[sflag:s6] =	ssyncadd.s32 $0xFFFFFFB0;
	(ifvalue) =	ssetifvalue $0x7FFFFFFF;
	v0 =	vld.msk [tilespmem:s14+$0x0 ss:$0x1], $0xffff;
	_ =	sdelay $0x4  }
0x2f: {  	s15 =	sadd.s32 $0x10, s14;
	vm1 =	vgt.s32 v0, $0x0  }
0x30: {  	v2 =	vld.msk [tilespmem:s15+$0x0 ss:$0x1], $0xffff;
	v1 =	vnsel vm1, $0x0, v0  }
0x31: {  	v1 =	vmin.u32 v1, $0x2EFF;
	_ =	sdelay $0x2  }
0x32: {  	s17 =	simm.s32 $0x20;
	s14 =	sor.u32 $0xA0, s14;
	s16 =	sadd.s32 $0x10, s15  }
0x33: {  	s15 =	sadd.s32 $0x10, s14;
	s18 =	smov.u32 s14;
	v0 =	vld.msk [tilespmem:s16+$0x0 ss:$0x1], $0xffff;
	vm1 =	vgt.s32 v2, $0x0;
	(ifvalue) =	ssetifvalue $0x7FFFFFFF  }
.LBB2_3:
0x34: {  	[tilespmem:s18], [sflag:$0x1] =	stream.indirect_vreg.gather [hbm4b:s2+s10], $0x1, v1, vm0, $0x4038;
	[tilespmem:$0x140] =	vst v63  }
0x35: {  	s17 =	sadd.s32 $0x10, s17  }
0x36: {  	v2 =	vnsel vm1, $0x0, v2;
	p0 =	slt.u32 s17, $0x40  }
.Ltmp3:
0x37: {  	s18 =	smov.u32 s15;
	v1 =	vmin.u32 v2, $0x2EFF;
	(pc) =	sbr.rel @p0 .LBB2_3-.Ltmp3, $3  }
0x38: {  	_ =	sdelay $0x1  }
0x39: {  	s16 =	sadd.s32 $0x10, s16  }
0x3a: {  	vm1 =	vgt.s32 v0, $0x0;
	s15 =	sadd.s32 $0x10, s15;
	v2 =	vmov v0;
	(ifvalue) =	ssetifvalue $0x7FFFFFFF;
	v0 =	vld.msk [tilespmem:s16+$0x0 ss:$0x1], $0xffff  }
.Ltmp4:
0x3b: {  	_ = 	snop;
	(pc) =	sbr.rel .LBB2_4-.Ltmp4, $1  }
0x3c: {  	_ =	sdelay $0x3  }
.LBB2_6:
0x3d: {  	_ =	sfence.sel $0x180000  }
0x3e: {  	s2 =	simm.s32 $0x2;
	[bflag:$0x0] =	sbarrier.arrive $0xFFFF  }
0x3f: {  	s30 =	simm.s32 $0x3;
	[sflag:s2] =	ssyncpa.u1 $0x1  }
0x40: {  	s31 =	simm.s32 $0x1;
	[sflag:s30] =	ssyncpa.u1 $0x1  }
0x41: {  	[sflag:s31] =	ssyncpa.u1 $0x1  }
0x42: {  	p0 =	sne.s32 s1, $0x0;
	_ =	strace $0x90000053  }
0x43: {  	s0 =	sadd.s32 @!p0 $0x100000, s0;
	[bflag:$0x2] =	sbarrier.arrive $0xFFFF  }
0x44: {  	[sflag:s0] =	ssyncadd.tile.s32 @!p0 $0x1;
	_ =	shalt  }
.Lfunc_end2:
_tile_overlayer_lowered:
.L_overlay_start_2:
0x45: {  	(tag) =	ssettag $0x2  }
0x46: {  	s0 =	rddreg [dreg:$0x0];
	s2 =	stileid.u32  }
0x47: {  	s1 =	rddreg [dreg:$0x1];
	p0 =	sne.s32 s2, $0x0  }
0x48: {  	s3 =	rddreg [dreg:$0x2];
	[bflag:$0x3] =	sbarrier.arrive $0xFFFF;
	s2 =	simm.s32 @!p0 $0x1C01  }
0x49: {  	[timem:s3], [sflag:s2] =	dma.local @!p0 [hbm:s0], s1  }
0x4a: {  	s0 =	simm.s32 @!p0 $0x1  }
0x4b: {  	_ =	swait.ge @!p0 [sflag:s0], s1  }
0x4c: {  	s1 =	ssub.s32 @!p0 $0x0, s1;
	[sflag:s0] =	ssyncset.done @!p0 $0x0  }
0x4d: {  	[sflag:s0] =	ssyncadd.s32 @!p0 s1  }
0x4e: {  	[bflag:$0x3] =	sbarrier.arrive $0xFFFF  }
0x4f: {  	_ =	shalt  }

// kernel: gather_offload_async_start
scs
__scs_entry_jumppad:
0x0: {  	(pc) =	sbr.rel $0x88, $3  }
0x1: {  	(tag) =	ssettag $0x0;
	lr =	simm.s32 $0x1  }
0x2: {  	[smem:$0x3F99] =	sst lr;
	_ =	strace $0xD0000000  }
0x3: {  	_ = 	snop  }
0x4: {  	_ = 	snop  }
0x5: {  	_ = 	snop  }
0x6: {  	_ = 	snop  }
0x7: {  	_ = 	snop  }
__scs_overlays_trampoline_lowered:
0x8: {  	[smem:$0x3FA8] =	sst s0  }
0x9: {  	[smem:$0x3FA9] =	sst s1  }
0xa: {  	[smem:$0x3FAA] =	sst s2  }
0xb: {  	[smem:$0x3FAB] =	sst s3  }
0xc: {  	[smem:$0x3FAC] =	sst s4  }
0xd: {  	[smem:$0x3FAD] =	sst s5  }
0xe: {  	[smem:$0x3FAE] =	sst s6  }
0xf: {  	[smem:$0x3FAF] =	sst s7  }
0x10: {  	[smem:$0x3FB0] =	sst s8  }
0x11: {  	[smem:$0x3FB1] =	sst s9;
	s0 =	simm.s32 @!p0 $0x0  }
0x12: {  	s1 =	sld [smem:$0x3F97];
	s0 =	simm.s32 @p0 $0x1  }
0x13: {  	[smem:$0x3FB2] =	sst s0;
	s0 =	simm.s32 @!p1 $0x0  }
0x14: {  	s2 =	sld [smem:$0x3F96];
	s0 =	simm.s32 @p1 $0x1  }
0x15: {  	[smem:$0x3FB3] =	sst s0;
	s0 =	simm.s32 @!p2 $0x0  }
0x16: {  	s3 =	sld [smem:$0x3FDB];
	s0 =	simm.s32 @p2 $0x1  }
0x17: {  	s4 =	simm.s32 $0x1BF5;
	[smem:$0x3FB5] =	sst s0  }
0x18: {  	s0 =	sld [smem:$0x3F98];
	_ =	swait.ge [sflag:s4], $0x0  }
0x19: {  	s7 =	sld [smem:$0x3F99]  }
0x1a: {  	s8 =	sadd.s32 $0xFFFFE003, lr  }
0x1b: {  	s9 =	sadd.s32 $0xFFFFFEF7, lr;
	s5 =	simm.s32 $0xFFFFFFFF;
	p2 =	slt.u32 s8, $0xFFFFF086  }
0x1c: {  	p1 =	slt.u32 s9, $0xF7A;
	s5 =	simm.s32 @!p2 $0x0  }
0x1d: {  	s5 =	simm.s32 @p1 $0x1;
	p0 =	seq.s32 s7, s2  }
0x1e: {  	s7 =	smul.u32 @!p0 $0xF7A, s2;
	p2 =	seq.s32 @!p0 s5, $0x0  }
0x1f: {  	s9 =	smul.u32 $0xF7A, s1;
	s8 =	simm.s32 @!p0 $0x1BF5;
	p2 =	por !p2, p0  }
0x20: {  	[sflag:s8] =	ssyncset.s32 @!p0 $0xFFFFF086;
	s6 =	sadd.s32 @!p0 s3, s7;
	s7 =	simm.s32 @!p0 $0x108  }
0x21: {  	s3 =	sadd.s32 s3, s9;
	s6 =	sadd.s32 @!p0 $0x88, s6;
	s7 =	simm.s32 @p2 $0x1082  }
0x22: {  	[simem:s7], [sflag:s8] =	dma.local @!p0 [hbm:s6], $0xF7A  }
0x23: {  	s9 =	sor.u32 $0xD0000000, s2;
	s6 =	simm.s32 $0x108;
	_ =	swait.ge @!p0 [sflag:s8], $0x0  }
0x24: {  	s3 =	sadd.s32 $0x88, s3;
	s6 =	simm.s32 @!p1 $0x1082;
	[sflag:s4] =	ssyncset.s32 $0xFFFFF086  }
0x25: {  	[simem:s6], [sflag:s4] =	dma.local [hbm:s3], $0xF7A  }
0x26: {  	[smem:$0x3F99] =	sst s1;
	(tag) =	ssettag s2;
	_ =	strace s9  }
0x27: {  	s1 =	sld [smem:$0x3FA9]  }
0x28: {  	s2 =	sld [smem:$0x3FAA]  }
0x29: {  	s4 =	sld [smem:$0x3FAC]  }
0x2a: {  	p0 =	seq.s32 s5, $0x0;
	s5 =	sld [smem:$0x3FAD]  }
0x2b: {  	s6 =	sld [smem:$0x3FAE]  }
0x2c: {  	s7 =	sld [smem:$0x3FAF]  }
0x2d: {  	s3 =	simm.s32 $0x108;
	s8 =	sld [smem:$0x3FB0]  }
0x2e: {  	s3 =	simm.s32 @!p0 $0x1082;
	s9 =	sld [smem:$0x3FB1]  }
0x2f: {  	lr =	sadd.s32 s0, s3;
	s0 =	sld [smem:$0x3FA8]  }
0x30: {  	s3 =	sld [smem:$0x3FAB]  }
0x31: {  	[smem:$0x3FB4] =	sst s10  }
0x32: {  	s10 =	sld [smem:$0x3FB2];
	_ =	sdelay $0x3  }
0x33: {  	p0 =	seq.s32 s10, $0x1;
	s10 =	sld [smem:$0x3FB4];
	_ =	sdelay $0x3  }
0x34: {  	[smem:$0x3FB4] =	sst s10  }
0x35: {  	s10 =	sld [smem:$0x3FB3];
	_ =	sdelay $0x3  }
0x36: {  	p1 =	seq.s32 s10, $0x1;
	s10 =	sld [smem:$0x3FB4];
	_ =	sdelay $0x3  }
0x37: {  	[smem:$0x3FB4] =	sst s10  }
0x38: {  	s10 =	sld [smem:$0x3FB5]  }
0x39: {  	_ = 	snop;
	(pc) =	sbr.ind lr, $3  }
0x3a: {  	_ = 	snop  }
0x3b: {  	_ = 	snop  }
0x3c: {  	p2 =	seq.s32 s10, $0x1;
	s10 =	sld [smem:$0x3FB4]  }
0x3d: {  	_ =	shalt  }
0x3e: {  	_ =	shalt  }
0x3f: {  	_ =	shalt  }
0x40: {  	_ =	shalt  }
0x41: {  	_ =	shalt  }
0x42: {  	_ =	shalt  }
0x43: {  	_ =	shalt  }
0x44: {  	_ =	shalt  }
0x45: {  	_ =	shalt  }
0x46: {  	_ =	shalt  }
0x47: {  	_ =	shalt  }
0x48: {  	_ =	shalt  }
0x49: {  	_ =	shalt  }
0x4a: {  	_ =	shalt  }
0x4b: {  	_ =	shalt  }
0x4c: {  	_ =	shalt  }
0x4d: {  	_ =	shalt  }
0x4e: {  	_ =	shalt  }
0x4f: {  	_ =	shalt  }
0x50: {  	_ =	shalt  }
0x51: {  	_ =	shalt  }
0x52: {  	_ =	shalt  }
0x53: {  	_ =	shalt  }
0x54: {  	_ =	shalt  }
0x55: {  	_ =	shalt  }
0x56: {  	_ =	shalt  }
0x57: {  	_ =	shalt  }
0x58: {  	_ =	shalt  }
0x59: {  	_ =	shalt  }
0x5a: {  	_ =	shalt  }
0x5b: {  	_ =	shalt  }
0x5c: {  	_ =	shalt  }
0x5d: {  	_ =	shalt  }
0x5e: {  	_ =	shalt  }
0x5f: {  	_ =	shalt  }
0x60: {  	_ =	shalt  }
0x61: {  	_ =	shalt  }
0x62: {  	_ =	shalt  }
0x63: {  	_ =	shalt  }
0x64: {  	_ =	shalt  }
0x65: {  	_ =	shalt  }
0x66: {  	_ =	shalt  }
0x67: {  	_ =	shalt  }
0x68: {  	_ =	shalt  }
0x69: {  	_ =	shalt  }
0x6a: {  	_ =	shalt  }
0x6b: {  	_ =	shalt  }
0x6c: {  	_ =	shalt  }
0x6d: {  	_ =	shalt  }
0x6e: {  	_ =	shalt  }
0x6f: {  	_ =	shalt  }
0x70: {  	_ =	shalt  }
0x71: {  	_ =	shalt  }
0x72: {  	_ =	shalt  }
0x73: {  	_ =	shalt  }
0x74: {  	_ =	shalt  }
0x75: {  	_ =	shalt  }
0x76: {  	_ =	shalt  }
0x77: {  	_ =	shalt  }
0x78: {  	_ =	shalt  }
0x79: {  	_ =	shalt  }
0x7a: {  	_ =	shalt  }
0x7b: {  	_ =	shalt  }
0x7c: {  	_ =	shalt  }
0x7d: {  	_ =	shalt  }
0x7e: {  	_ =	shalt  }
0x7f: {  	_ =	shalt  }
0x80: {  	_ =	shalt  }
0x81: {  	_ =	shalt  }
0x82: {  	_ =	shalt  }
0x83: {  	_ =	shalt  }
0x84: {  	_ =	shalt  }
0x85: {  	_ =	shalt  }
0x86: {  	_ =	shalt  }
0x87: {  	_ =	shalt  }
.Lfunc_end0:
.L_simem_size_0:
called_computation.1_lowered:
.L_overlay_start_0:
0x88: {  	s2 =	sld [smem:$0x3FD9]  }
0x89: {  	s3 =	sld [smem:$0x3FFE];
	_ =	sdelay $0x1  }
0x8a: {  	s1 =	srdreg.scid  }
0x8b: {  	s0 =	sand.u32 $0x1, s1  }
0x8c: {  	s17 =	sshll.u32 s0, $0xA;
	s2 =	sadd.s32 s3, s2  }
0x8d: {  	s2 =	sadd.s32 s2, s17  }
0x8e: {  	[smem:$0x3FC0] =	sst s2  }
0x8f: {  	_ = 	snop  }
0x90: {  	(tm) =	ssettm $0x1  }
0x91: {  	s18 =	sld [smem:$0x3FFB];
	_ =	sdelay $0x3  }
0x92: {  	_ =	strace s18  }
0x93: {  	s2 =	sld [smem:$0x3FFC];
	_ =	sdelay $0x3  }
0x94: {  	_ =	strace s2  }
0x95: {  	s2 =	sld [smem:$0x3FFD];
	_ =	sdelay $0x3  }
0x96: {  	_ =	strace s2  }
0x97: {  	_ =	strace $0x8FFFFFFF  }
0x98: {  	s19 =	sld [smem:$0x3FDB];
	_ =	sdelay $0x1  }
0x99: {  	s20 =	simm.s32 $_scs_section_size  }
0x9a: {  	s4 =	simm.s32 $_size__tile_overlayer_lowered;
	s5 =	simm.s32 $_tile_overlayer_lowered  }
0x9b: {  	s6 =	simm.s32 $0x1BFF;
	s21 =	sshll.u32 s5, $0x1;
	s3 =	sadd.s32 s20, s19  }
0x9c: {  	s22 =	simm.s32 $0x0;
	s4 =	sshll.u32 s4, $0x1;
	s5 =	sadd.s32 s21, s3  }
0x9d: {  	[timem:s22], [sflag:s6] =	dma.local [hbm:s5], s4  }
0x9e: {  	_ =	swait.ge [sflag:s6], s4  }
0x9f: {  	s4 =	ssub.s32 $0x0, s4;
	[sflag:s6] =	ssyncset.done $0x0  }
0xa0: {  	[sflag:s6] =	ssyncadd.s32 s4;
	_ =	sdelay $0x1  }
0xa1: {  	s23 =	simm.s32 $0x1B8B  }
0xa2: {  	_ =	swait.ge [sflag:s23], $0x1  }
0xa3: {  	[sflag:s23] =	ssyncset.done $0x0  }
0xa4: {  	[sflag:s23] =	ssyncadd.s32 $0xFFFFFFFF  }
0xa5: {  	s4 =	sld [smem:$0x0]  }
0xa6: {  	s5 =	sand.u32 $0xFFFFFFFE, s1  }
0xa7: {  	p0 =	sne.s32 s1, s5  }
0xa8: {  	s5 =	sshll.u32 @p0 s5, $0xE  }
0xa9: {  	s5 =	sadd.s32 @p0 $0x11B8D, s5;
	s6 =	sshll.u32 @p0 s4, $0x11  }
0xaa: {  	s5 =	sor.u32 @p0 s6, s5  }
0xab: {  	[sflag:s5] =	ssyncadd.remote.s32 @p0 $0x1;
	_ =	sdelay $0x1  }
0xac: {  	s5 =	simm.s32 @p0 $0x1B8D  }
0xad: {  	_ =	swait.eq @p0 [sflag:s5], $0x1  }
0xae: {  	[sflag:s5] =	ssyncadd.s32 @p0 $0xFFFFFFFF  }
0xaf: {  	s6 =	sshll.u32 @!p0 s1, $0xE  }
0xb0: {  	s6 =	sor.u32 @!p0 $0x4000, s6;
	s5 =	simm.s32 @!p0 $0x1B8D  }
0xb1: {  	s4 =	sshll.u32 @!p0 s4, $0x11;
	s6 =	sadd.s32 @!p0 $0x11B8D, s6;
	_ =	swait.eq @!p0 [sflag:s5], $0x1  }
0xb2: {  	s4 =	sor.u32 @!p0 s4, s6;
	[sflag:s5] =	ssyncadd.s32 @!p0 $0xFFFFFFFF  }
0xb3: {  	s25 =	simm.s32 $0x1B8E;
	s24 =	sld [smem:$0x3FFE];
	[sflag:s4] =	ssyncadd.remote.s32 @!p0 $0x1  }
0xb4: {  	s26 =	simm.s32 $execute0_lowered;
	[smem:$0x3FD2] =	sst s25  }
0xb5: {  	s5 =	sshll.u32 s26, $0x1;
	_ =	strace $0x80000049;
	[dreg:$0x1] =	wrdreg $0xFFFFFFFF  }
0xb6: {  	s28 =	simm.s32 $_size_execute0_lowered;
	s3 =	sadd.s32 s3, s5;
	[dreg:$0x0] =	wrdreg $0x0  }
0xb7: {  	s5 =	sshll.u32 s28, $0x1;
	[dreg:$0x2] =	wrdreg s3  }
0xb8: {  	[dreg:$0x3] =	wrdreg s5  }
0xb9: {  	[dreg:$0x4] =	wrdreg $0xC0  }
0xba: {  	_ =	task [dreg:s22], $0x5FFFF  }
0xbb: {  	[dreg:$0x1] =	wrdreg $0xFFFFFFFF  }
0xbc: {  	[dreg:$0x0] =	wrdreg $0x60  }
0xbd: {  	[dreg:$0x2] =	wrdreg s24  }
0xbe: {  	[dreg:$0x3] =	wrdreg $0x9  }
0xbf: {  	_ =	task.clear_ibuf [dreg:s22], $0x4FFFF;
	_ =	strace $0x90000049  }
0xc0: {  	s29 =	simm.s32 $0x9;
	_ =	strace $0x8000004B  }
0xc1: {  	_ =	swait.ge [sflag:s29], $0x1  }
0xc2: {  	[sflag:s29] =	ssyncadd.s32 $0xFFFFFFFF  }
0xc3: {  	_ =	strace $0x9000004B  }
0xc4: {  	_ =	sfence  }
0xc5: {  	s30 =	sld [smem:$0x0];
	_ =	sdelay $0x2  }
0xc6: {  	s31 =	sshll.u32 s1, $0xD;
	s1 =	sshrl.u32 s1, $0x2  }
0xc7: {  	s4 =	sand.u32 $0x4000, s31;
	s1 =	sadd.s32 s1, s30  }
0xc8: {  	s0 =	sor.u32 s4, s0;
	s1 =	sshll.u32 s1, $0x11  }
0xc9: {  	s0 =	sor.u32 s1, s0  }
0xca: {  	s0 =	sadd.s32 $0x8F2B, s0  }
0xcb: {  	[sflag:s0] =	ssyncadd.remote.s32 $0x1  }
0xcc: {  	_ =	sfence.sel $0xFFFF  }
0xcd: {  	[dreg:$0x0] =	wrdreg $0xFFFFFFFF;
	(pc) =	sbr.abs _section_cstart, $3  }
0xce: {  	[dreg:$0x1] =	wrdreg $0xFFFFFFFF  }
0xcf: {  	_ =	task.clear_ibuf [dreg:s22], $0x2FFFF;
	_ =	strace $0x9FFFFFFF  }
0xd0: {  	(tm) =	ssettm $0x7FFFFFFF  }
0xd1: {  	_ =	shalt  }
tec
execute0_lowered:
.L_overlay_start_1:
0x0: {  	(tag) =	ssettag $0x1  }
0x1: {  	s0 =	srdreg.scid  }
0x2: {  	s1 =	sshll.u32 s0, $0x4  }
0x3: {  	s0 =	stileid.u32;
	s1 =	sand.u32 $0x10, s1  }
0x4: {  	s2 =	sor.u32 s0, s1  }
0x5: {  	s1 =	smin.u32 s2, $0x1C  }
0x6: {  	s1 =	sadd.s32 s2, s1  }
0x7: {  	p0 =	slt.u32 s2, $0x1C;
	s2 =	simm.s32 $0x190;
	s1 =	smul.u32 $0xC8, s1  }
0x8: {  	s2 =	simm.s32 @!p0 $0xC8  }
0x9: {  	s2 =	sadd.s32 s2, s1  }
0xa: {  	s3 =	smin.u32 s2, $0x2EE0  }
0xb: {  	s7 =	ssub.s32 s3, s1  }
0xc: {  	p0 =	sgt.s32 s7, $0x0  }
0xd: {  	s7 =	simm.s32 @!p0 $0x0  }
0xe: {  	s31 =	sand.u32 $0xFFF8, s7  }
0xf: {  	s2 =	sshrl.u32 s31, $0x3  }
0x10: {  	s2 =	smul.u32 $0x147B, s2  }
0x11: {  	s9 =	rddreg [dreg:$0x0];
	s6 =	simm.s32 $0x1;
	s11 =	simm.s32 $0x3  }
0x12: {  	s13 =	simm.s32 $0x0;
	s12 =	simm.s32 $0x0;
	s8 =	sshrl.u32 s2, $0x11  }
0x13: {  	s4 =	sadd.s32 $0x1800, s9;
	s5 =	sadd.s32 $0xC00, s9;
	s10 =	smul.u32 $0xC8, s8  }
.Ltmp0:
0x14: {  	s9 =	sadd.s32 $0x59800, s9;
	s2 =	rddreg [dreg:$0x1];
	(pc) =	sbr.rel .LBB2_1-.Ltmp0, $4  }
0x15: {  	_ =	strace $0x8000004A;
	p0 =	sne.s32 s7, s10;
	s10 =	simm.s32 $0x1  }
0x16: {  	[sflag:s6] =	ssyncpa.u1 $0x0;
	s7 =	simm.s32 $0x2;
	s10 =	simm.s32 @!p0 $0x0  }
0x17: {  	[sflag:s7] =	ssyncpa.u1 $0x0;
	p0 =	por $0x0, $0x0;
	s8 =	sadd.s32 s8, s10  }
0x18: {  	vm0 =	vmmov $0xff;
	vm1 =	vcmask $0x3F20;
	[sflag:s11] =	ssyncpa.u1 $0x0;
	s11 =	smov.u32 s1;
	s10 =	sadd.s32 $0x1, s8  }
.LBB2_6:
0x19: {  	[hbm:s17] =	stream.linear.scatter [tilespmem:s14], [sflag:$0x3], $0x400, $0x38;
	[tilespmem:$0xC990] =	vst v63  }
.LBB2_7:
0x1a: {  	s13 =	sadd.s32 $0xC8, s11  }
0x1b: {  	s15 =	smov.u32 s1;
	p2 =	slt.s32 s13, s3  }
0x1c: {  	s15 =	smov.u32 @p2 s13;
	p2 =	sne.s32 s12, s10  }
.Ltmp1:
0x1d: {  	p1 =	slt.u32 s12, $0x2;
	(pc) =	sbr.rel @!p2 .LBB2_8-.Ltmp1, $4  }
0x1e: {  	s14 =	simm.s32 @!p1 $0x3  }
0x1f: {  	s16 =	sadd.s32 $0x1, s12;
	_ =	swait.ge @!p1 [sflag:s14], $0x6400  }
0x20: {  	p0 =	por !p0, !p0;
	s13 =	smov.u32 s11;
	[sflag:s14] =	ssyncset.done @!p1 $0x0  }
0x21: {  	s12 =	smov.u32 s16;
	s11 =	smov.u32 s15;
	[sflag:s14] =	ssyncadd.s32 @!p1 $0xFFFF9C00  }
.LBB2_1:
0x22: {  	p1 =	sge.u32 s12, s8  }
0x23: {  	s14 =	sxor.u32 @!p1 $0xFFFFFFFF, s12  }
0x24: {  	s14 =	sand.u32 @!p1 $0x1, s14  }
0x25: {  	s14 =	smul.u32 @!p1 $0x320, s14  }
0x26: {  	s31 =	sadd.s32 $0xFFFFFFFF, s12;
	s15 =	sshrl.u32 @!p1 s11, $0x3  }
0x27: {  	s16 =	sand.u32 @!p1 $0x7, s11;
	s15 =	sadd.s32 @!p1 s5, s15;
	s14 =	sshrl.u32 @!p1 s14, $0x2  }
0x28: {  	[tilespmem:s14], [sflag:$0x2] =	stream.linear.gather @!p1 [hbm4b:s15+s16], $0xC8, $0x38;
	[tilespmem:$0xC990] =	vst v63  }
0x29: {  	p1 =	sge.u32 s31, s8  }
.Ltmp2:
0x2a: {  	_ = 	snop;
	(pc) =	sbr.rel @p1 .LBB2_7-.Ltmp2, $1  }
0x2b: {  	_ =	sdelay $0x3  }
0x2c: {  	s14 =	simm.s32 $0x1  }
0x2d: {  	s14 =	simm.s32 @!p0 $0x0  }
0x2e: {  	s15 =	smul.u32 $0x320, s14  }
0x2f: {  	_ =	swait.ge [sflag:s7], $0xC8  }
0x30: {  	[sflag:s7] =	ssyncset.done $0x0;
	s16 =	sshrl.u32 s15, $0x2  }
0x31: {  	[sflag:s7] =	ssyncadd.s32 $0xFFFFFF38;
	s15 =	sadd.s32 $0x0, s16  }
0x32: {  	v0 =	vld.msk [tilespmem:s15+$0x0 ss:$0x1], $0xffff;
	_ =	sdelay $0x4  }
0x33: {  	vm2 =	vgt.s32 v0, $0x0  }
0x34: {  	v0 =	vnsel vm2, $0x0, v0  }
0x35: {  	v0 =	vmin.u32 v0, $0x57E3  }
0x36: {  	v0 =	vshll.u32 v0, $0x4  }
0x37: {  	s14 =	smul.u32 $0x19000, s14  }
0x38: {  	s31 =	sand.u32 $0x1, s12  }
0x39: {  	s17 =	smul.u32 $0x320, s31;
	s14 =	sshrl.u32 s14, $0x2  }
0x3a: {  	s19 =	smul.u32 $0x19000, s31;
	s14 =	sor.u32 $0x190, s14  }
0x3b: {  	[tilespmem:s14], [sflag:$0x1] =	stream.indirect_vreg.gather [hbm:s4], $0x80, v0, vm0, $0x38;
	[tilespmem:$0xC990] =	vst v63  }
0x3c: {  	s18 =	sshrl.u32 s17, $0x2;
	s20 =	sadd.s32 $0x10, s16;
	s15 =	sadd.s32 $0x400, s14  }
0x3d: {  	[tilespmem:s15], [sflag:$0x1] =	stream.indirect_vreg.gather [hbm:s4], $0x80, v0, vm1, $0x38;
	[tilespmem:$0xC990] =	vst v63  }
0x3e: {  	s17 =	sshrl.u32 s19, $0x2;
	s19 =	smov.u32 s14;
	v0 =	vld.msk [tilespmem:s20+$0x0 ss:$0x1], $0xffff;
	s20 =	simm.s32 $0x80  }
.LBB2_3:
0x3f: {  	p1 =	sne.s32 s20, $0x2C0;
	_ =	sdelay $0x4  }
0x40: {  	vm2 =	vgt.s32 v0, $0x0  }
0x41: {  	v0 =	vnsel vm2, $0x0, v0  }
0x42: {  	v0 =	vmin.u32 v0, $0x57E3  }
0x43: {  	v0 =	vshll.u32 v0, $0x4;
	_ =	sdelay $0x3  }
.Ltmp3:
0x44: {  	s21 =	sshra.s32 s20, $0x2;
	s19 =	sadd.s32 $0x800, s19;
	(pc) =	sbr.rel @p1 .LBB2_3-.Ltmp3, $4  }
0x45: {  	[tilespmem:s19], [sflag:$0x1] =	stream.indirect_vreg.gather [hbm:s4], $0x80, v0, vm0, $0x38;
	[tilespmem:$0xC990] =	vst v63  }
0x46: {  	s21 =	sadd.s32 s21, s16;
	s22 =	sadd.s32 $0x400, s19  }
0x47: {  	[tilespmem:s22], [sflag:$0x1] =	stream.indirect_vreg.gather [hbm:s4], $0x80, v0, vm1, $0x38;
	[tilespmem:$0xC990] =	vst v63  }
0x48: {  	s20 =	sadd.s32 $0x40, s20;
	v0 =	vld.msk [tilespmem:s21+$0x0 ss:$0x1], $0xffff  }
0x49: {  	_ =	sdelay $0x3  }
0x4a: {  	vm2 =	vgt.s32 v0, $0x0  }
0x4b: {  	v0 =	vnsel vm2, $0x0, v0  }
0x4c: {  	v0 =	vmin.u32 v0, $0x57E3  }
0x4d: {  	v0 =	vshll.u32 v0, $0x4;
	_ =	sdelay $0x3  }
0x4e: {  	s16 =	sadd.s32 $0x800, s19  }
0x4f: {  	[tilespmem:s16], [sflag:$0x1] =	stream.indirect_vreg.gather [hbm:s4], $0x80, v0, vm0, $0x38;
	[tilespmem:$0xC990] =	vst v63  }
0x50: {  	s16 =	sadd.s32 $0x400, s16  }
0x51: {  	[tilespmem:s16], [sflag:$0x1] =	stream.indirect_vreg.gather [hbm:s4], $0x80, v0, vm1, $0x38;
	[tilespmem:$0xC990] =	vst v63  }
0x52: {  	v0 =	vld.msk [tilespmem:s18+$0xC0 ss:$0x1], $0xff;
	_ =	sdelay $0x4  }
0x53: {  	vm2 =	vgt.s32 v0, $0x0  }
0x54: {  	v0 =	vnsel vm2, $0x0, v0  }
0x55: {  	v0 =	vmin.u32 v0, $0x57E3  }
0x56: {  	v0 =	vshll.u32 v0, $0x4;
	_ =	sdelay $0x3  }
0x57: {  	s31 =	sadd.s32 $0x6190, s17  }
0x58: {  	[tilespmem:s31], [sflag:$0x1] =	stream.indirect_vreg.gather [hbm:s4], $0x80, v0, vm0, $0x38;
	[tilespmem:$0xC990] =	vst v63  }
0x59: {  	s13 =	sshll.u32 s13, $0x4;
	_ =	swait.ge [sflag:s6], $0x6400  }
0x5a: {  	s13 =	sadd.s32 s13, s9;
	[sflag:s6] =	ssyncset.done $0x0  }
0x5b: {  	s17 =	sadd.s32 $0x0, s13;
	s16 =	simm.s32 $0x80;
	[sflag:s6] =	ssyncadd.s32 $0xFFFF9C00  }
.LBB2_5:
0x5c: {  	[hbm:s17] =	stream.linear.scatter [tilespmem:s14], [sflag:$0x3], $0x400, $0x38;
	[tilespmem:$0xC990] =	vst v63  }
0x5d: {  	s17 =	smov.u32 s16;
	s14 =	smov.u32 s15;
	p1 =	sne.s32 s16, $0xC00  }
.Ltmp4:
0x5e: {  	s16 =	sadd.s32 $0x80, s16;
	(pc) =	sbr.rel @p1 .LBB2_5-.Ltmp4, $2  }
0x5f: {  	_ =	sdelay $0x2  }
0x60: {  	s15 =	sadd.s32 $0x400, s15;
	s17 =	sadd.s32 s17, s13  }
.Ltmp5:
0x61: {  	_ = 	snop;
	(pc) =	sbr.rel .LBB2_6-.Ltmp5, $1  }
0x62: {  	_ =	sdelay $0x3  }
.LBB2_8:
0x63: {  	_ =	sfence.sel $0x180000  }
0x64: {  	s1 =	simm.s32 $0x2;
	[bflag:$0x0] =	sbarrier.arrive $0xFFFF  }
0x65: {  	s30 =	simm.s32 $0x3;
	[sflag:s1] =	ssyncpa.u1 $0x1  }
0x66: {  	s31 =	simm.s32 $0x1;
	[sflag:s30] =	ssyncpa.u1 $0x1  }
0x67: {  	[sflag:s31] =	ssyncpa.u1 $0x1  }
0x68: {  	p0 =	sne.s32 s0, $0x0;
	_ =	strace $0x9000004A  }
0x69: {  	s0 =	sadd.s32 @!p0 $0x100000, s2;
	[bflag:$0x2] =	sbarrier.arrive $0xFFFF  }
0x6a: {  	[sflag:s0] =	ssyncadd.tile.s32 @!p0 $0x1;
	_ =	shalt  }
.Lfunc_end2:
_tile_overlayer_lowered:
.L_overlay_start_2:
0x6b: {  	(tag) =	ssettag $0x2  }
0x6c: {  	s0 =	rddreg [dreg:$0x0];
	s2 =	stileid.u32  }
0x6d: {  	s1 =	rddreg [dreg:$0x1];
	p0 =	sne.s32 s2, $0x0  }
0x6e: {  	s3 =	rddreg [dreg:$0x2];
	[bflag:$0x3] =	sbarrier.arrive $0xFFFF;
	s2 =	simm.s32 @!p0 $0x1C01  }
0x6f: {  	[timem:s3], [sflag:s2] =	dma.local @!p0 [hbm:s0], s1  }
0x70: {  	s0 =	simm.s32 @!p0 $0x1  }
0x71: {  	_ =	swait.ge @!p0 [sflag:s0], s1  }
0x72: {  	s1 =	ssub.s32 @!p0 $0x0, s1;
	[sflag:s0] =	ssyncset.done @!p0 $0x0  }
0x73: {  	[sflag:s0] =	ssyncadd.s32 @!p0 s1  }
0x74: {  	[bflag:$0x3] =	sbarrier.arrive $0xFFFF  }
0x75: {  	_ =	shalt  }

// kernel: scatter_offload_async_start
scs
__scs_entry_jumppad:
0x0: {  	(pc) =	sbr.rel $0x88, $3  }
0x1: {  	(tag) =	ssettag $0x0;
	lr =	simm.s32 $0x1  }
0x2: {  	[smem:$0x3F99] =	sst lr;
	_ =	strace $0xD0000000  }
0x3: {  	_ = 	snop  }
0x4: {  	_ = 	snop  }
0x5: {  	_ = 	snop  }
0x6: {  	_ = 	snop  }
0x7: {  	_ = 	snop  }
__scs_overlays_trampoline_lowered:
0x8: {  	[smem:$0x3FA8] =	sst s0  }
0x9: {  	[smem:$0x3FA9] =	sst s1  }
0xa: {  	[smem:$0x3FAA] =	sst s2  }
0xb: {  	[smem:$0x3FAB] =	sst s3  }
0xc: {  	[smem:$0x3FAC] =	sst s4  }
0xd: {  	[smem:$0x3FAD] =	sst s5  }
0xe: {  	[smem:$0x3FAE] =	sst s6  }
0xf: {  	[smem:$0x3FAF] =	sst s7  }
0x10: {  	[smem:$0x3FB0] =	sst s8  }
0x11: {  	[smem:$0x3FB1] =	sst s9;
	s0 =	simm.s32 @!p0 $0x0  }
0x12: {  	s1 =	sld [smem:$0x3F97];
	s0 =	simm.s32 @p0 $0x1  }
0x13: {  	[smem:$0x3FB2] =	sst s0;
	s0 =	simm.s32 @!p1 $0x0  }
0x14: {  	s2 =	sld [smem:$0x3F96];
	s0 =	simm.s32 @p1 $0x1  }
0x15: {  	[smem:$0x3FB3] =	sst s0;
	s0 =	simm.s32 @!p2 $0x0  }
0x16: {  	s3 =	sld [smem:$0x3FDB];
	s0 =	simm.s32 @p2 $0x1  }
0x17: {  	s4 =	simm.s32 $0x1BF5;
	[smem:$0x3FB5] =	sst s0  }
0x18: {  	s0 =	sld [smem:$0x3F98];
	_ =	swait.ge [sflag:s4], $0x0  }
0x19: {  	s7 =	sld [smem:$0x3F99]  }
0x1a: {  	s8 =	sadd.s32 $0xFFFFE003, lr  }
0x1b: {  	s9 =	sadd.s32 $0xFFFFFEF7, lr;
	s5 =	simm.s32 $0xFFFFFFFF;
	p2 =	slt.u32 s8, $0xFFFFF086  }
0x1c: {  	p1 =	slt.u32 s9, $0xF7A;
	s5 =	simm.s32 @!p2 $0x0  }
0x1d: {  	s5 =	simm.s32 @p1 $0x1;
	p0 =	seq.s32 s7, s2  }
0x1e: {  	s7 =	smul.u32 @!p0 $0xF7A, s2;
	p2 =	seq.s32 @!p0 s5, $0x0  }
0x1f: {  	s9 =	smul.u32 $0xF7A, s1;
	s8 =	simm.s32 @!p0 $0x1BF5;
	p2 =	por !p2, p0  }
0x20: {  	[sflag:s8] =	ssyncset.s32 @!p0 $0xFFFFF086;
	s6 =	sadd.s32 @!p0 s3, s7;
	s7 =	simm.s32 @!p0 $0x108  }
0x21: {  	s3 =	sadd.s32 s3, s9;
	s6 =	sadd.s32 @!p0 $0x88, s6;
	s7 =	simm.s32 @p2 $0x1082  }
0x22: {  	[simem:s7], [sflag:s8] =	dma.local @!p0 [hbm:s6], $0xF7A  }
0x23: {  	s9 =	sor.u32 $0xD0000000, s2;
	s6 =	simm.s32 $0x108;
	_ =	swait.ge @!p0 [sflag:s8], $0x0  }
0x24: {  	s3 =	sadd.s32 $0x88, s3;
	s6 =	simm.s32 @!p1 $0x1082;
	[sflag:s4] =	ssyncset.s32 $0xFFFFF086  }
0x25: {  	[simem:s6], [sflag:s4] =	dma.local [hbm:s3], $0xF7A  }
0x26: {  	[smem:$0x3F99] =	sst s1;
	(tag) =	ssettag s2;
	_ =	strace s9  }
0x27: {  	s1 =	sld [smem:$0x3FA9]  }
0x28: {  	s2 =	sld [smem:$0x3FAA]  }
0x29: {  	s4 =	sld [smem:$0x3FAC]  }
0x2a: {  	p0 =	seq.s32 s5, $0x0;
	s5 =	sld [smem:$0x3FAD]  }
0x2b: {  	s6 =	sld [smem:$0x3FAE]  }
0x2c: {  	s7 =	sld [smem:$0x3FAF]  }
0x2d: {  	s3 =	simm.s32 $0x108;
	s8 =	sld [smem:$0x3FB0]  }
0x2e: {  	s3 =	simm.s32 @!p0 $0x1082;
	s9 =	sld [smem:$0x3FB1]  }
0x2f: {  	lr =	sadd.s32 s0, s3;
	s0 =	sld [smem:$0x3FA8]  }
0x30: {  	s3 =	sld [smem:$0x3FAB]  }
0x31: {  	[smem:$0x3FB4] =	sst s10  }
0x32: {  	s10 =	sld [smem:$0x3FB2];
	_ =	sdelay $0x3  }
0x33: {  	p0 =	seq.s32 s10, $0x1;
	s10 =	sld [smem:$0x3FB4];
	_ =	sdelay $0x3  }
0x34: {  	[smem:$0x3FB4] =	sst s10  }
0x35: {  	s10 =	sld [smem:$0x3FB3];
	_ =	sdelay $0x3  }
0x36: {  	p1 =	seq.s32 s10, $0x1;
	s10 =	sld [smem:$0x3FB4];
	_ =	sdelay $0x3  }
0x37: {  	[smem:$0x3FB4] =	sst s10  }
0x38: {  	s10 =	sld [smem:$0x3FB5]  }
0x39: {  	_ = 	snop;
	(pc) =	sbr.ind lr, $3  }
0x3a: {  	_ = 	snop  }
0x3b: {  	_ = 	snop  }
0x3c: {  	p2 =	seq.s32 s10, $0x1;
	s10 =	sld [smem:$0x3FB4]  }
0x3d: {  	_ =	shalt  }
0x3e: {  	_ =	shalt  }
0x3f: {  	_ =	shalt  }
0x40: {  	_ =	shalt  }
0x41: {  	_ =	shalt  }
0x42: {  	_ =	shalt  }
0x43: {  	_ =	shalt  }
0x44: {  	_ =	shalt  }
0x45: {  	_ =	shalt  }
0x46: {  	_ =	shalt  }
0x47: {  	_ =	shalt  }
0x48: {  	_ =	shalt  }
0x49: {  	_ =	shalt  }
0x4a: {  	_ =	shalt  }
0x4b: {  	_ =	shalt  }
0x4c: {  	_ =	shalt  }
0x4d: {  	_ =	shalt  }
0x4e: {  	_ =	shalt  }
0x4f: {  	_ =	shalt  }
0x50: {  	_ =	shalt  }
0x51: {  	_ =	shalt  }
0x52: {  	_ =	shalt  }
0x53: {  	_ =	shalt  }
0x54: {  	_ =	shalt  }
0x55: {  	_ =	shalt  }
0x56: {  	_ =	shalt  }
0x57: {  	_ =	shalt  }
0x58: {  	_ =	shalt  }
0x59: {  	_ =	shalt  }
0x5a: {  	_ =	shalt  }
0x5b: {  	_ =	shalt  }
0x5c: {  	_ =	shalt  }
0x5d: {  	_ =	shalt  }
0x5e: {  	_ =	shalt  }
0x5f: {  	_ =	shalt  }
0x60: {  	_ =	shalt  }
0x61: {  	_ =	shalt  }
0x62: {  	_ =	shalt  }
0x63: {  	_ =	shalt  }
0x64: {  	_ =	shalt  }
0x65: {  	_ =	shalt  }
0x66: {  	_ =	shalt  }
0x67: {  	_ =	shalt  }
0x68: {  	_ =	shalt  }
0x69: {  	_ =	shalt  }
0x6a: {  	_ =	shalt  }
0x6b: {  	_ =	shalt  }
0x6c: {  	_ =	shalt  }
0x6d: {  	_ =	shalt  }
0x6e: {  	_ =	shalt  }
0x6f: {  	_ =	shalt  }
0x70: {  	_ =	shalt  }
0x71: {  	_ =	shalt  }
0x72: {  	_ =	shalt  }
0x73: {  	_ =	shalt  }
0x74: {  	_ =	shalt  }
0x75: {  	_ =	shalt  }
0x76: {  	_ =	shalt  }
0x77: {  	_ =	shalt  }
0x78: {  	_ =	shalt  }
0x79: {  	_ =	shalt  }
0x7a: {  	_ =	shalt  }
0x7b: {  	_ =	shalt  }
0x7c: {  	_ =	shalt  }
0x7d: {  	_ =	shalt  }
0x7e: {  	_ =	shalt  }
0x7f: {  	_ =	shalt  }
0x80: {  	_ =	shalt  }
0x81: {  	_ =	shalt  }
0x82: {  	_ =	shalt  }
0x83: {  	_ =	shalt  }
0x84: {  	_ =	shalt  }
0x85: {  	_ =	shalt  }
0x86: {  	_ =	shalt  }
0x87: {  	_ =	shalt  }
.Lfunc_end0:
.L_simem_size_0:
called_computation_lowered:
.L_overlay_start_0:
0x88: {  	s0 =	sld [smem:$0x3FD9]  }
0x89: {  	s1 =	sld [smem:$0x3FFE];
	_ =	sdelay $0x3  }
0x8a: {  	s0 =	sadd.s32 s1, s0  }
0x8b: {  	[smem:$0x3FC0] =	sst s0  }
0x8c: {  	_ = 	snop  }
0x8d: {  	s0 =	sld [smem:$0x3FD0];
	_ =	sdelay $0x2  }
0x8e: {  	s2 =	simm.s32 $0xD;
	s12 =	simm.s32 $0x10  }
0x8f: {  	[smem:s12], [sflag:s2] =	dma.local [hbm:s0], $0x1  }
0x90: {  	_ =	swait.eq [sflag:s2], $0x1  }
0x91: {  	[sflag:s2] =	ssyncset.done $0x0  }
0x92: {  	s13 =	sld [smem:$0x12];
	[sflag:s2] =	ssyncadd.s32 $0xFFFFFFFF  }
0x93: {  	s14 =	sld [smem:$0x13];
	(tm) =	ssettm $0x1  }
0x94: {  	s15 =	sld [smem:$0x3FFB];
	_ =	sdelay $0x3  }
0x95: {  	_ =	strace s15  }
0x96: {  	s0 =	sld [smem:$0x3FFC];
	_ =	sdelay $0x3  }
0x97: {  	_ =	strace s0  }
0x98: {  	s0 =	sld [smem:$0x3FFD];
	_ =	sdelay $0x3  }
0x99: {  	_ =	strace s0  }
0x9a: {  	_ =	strace $0x8FFFFFFF  }
0x9b: {  	s16 =	sld [smem:$0x3FDB];
	_ =	sdelay $0x1  }
0x9c: {  	s3 =	simm.s32 $_scs_section_size  }
0x9d: {  	s4 =	simm.s32 $_size__tile_overlayer_lowered;
	s5 =	simm.s32 $_tile_overlayer_lowered  }
0x9e: {  	s6 =	simm.s32 $0x1BFF;
	s17 =	sshll.u32 s5, $0x1;
	s3 =	sadd.s32 s3, s16  }
0x9f: {  	s18 =	simm.s32 $0x0;
	s4 =	sshll.u32 s4, $0x1;
	s5 =	sadd.s32 s17, s3  }
0xa0: {  	[timem:s18], [sflag:s6] =	dma.local [hbm:s5], s4  }
0xa1: {  	_ =	swait.ge [sflag:s6], s4  }
0xa2: {  	s4 =	ssub.s32 $0x0, s4;
	[sflag:s6] =	ssyncset.done $0x0  }
0xa3: {  	[sflag:s6] =	ssyncadd.s32 s4;
	_ =	sdelay $0x1  }
0xa4: {  	s19 =	simm.s32 $0x1B8B  }
0xa5: {  	_ =	swait.ge [sflag:s19], $0x1  }
0xa6: {  	[sflag:s19] =	ssyncset.done $0x0  }
0xa7: {  	s21 =	simm.s32 $0x1B8E;
	s20 =	sld [smem:$0x3FFE];
	[sflag:s19] =	ssyncadd.s32 $0xFFFFFFFF  }
0xa8: {  	s22 =	simm.s32 $execute0_lowered;
	[smem:$0x3FD2] =	sst s21  }
0xa9: {  	s5 =	sshll.u32 s22, $0x1;
	_ =	strace $0x8000004C;
	[dreg:$0x1] =	wrdreg $0xFFFFFFFF  }
0xaa: {  	s23 =	simm.s32 $_size_execute0_lowered;
	s5 =	sadd.s32 s3, s5;
	[dreg:$0x0] =	wrdreg $0x0  }
0xab: {  	s6 =	sshll.u32 s23, $0x1;
	[dreg:$0x2] =	wrdreg s5  }
0xac: {  	[dreg:$0x3] =	wrdreg s6  }
0xad: {  	[dreg:$0x4] =	wrdreg $0xC0  }
0xae: {  	s24 =	simm.s32 $execute1_lowered;
	_ =	task [dreg:s18], $0x5FFFF  }
0xaf: {  	s5 =	sshll.u32 s24, $0x1;
	[dreg:$0x1] =	wrdreg $0xFFFFFFFF  }
0xb0: {  	s3 =	sadd.s32 s3, s5;
	[dreg:$0x0] =	wrdreg $0x60  }
0xb1: {  	[dreg:$0x2] =	wrdreg s3  }
0xb2: {  	[dreg:$0x3] =	wrdreg s14  }
0xb3: {  	[dreg:$0x4] =	wrdreg s13  }
0xb4: {  	[dreg:$0x5] =	wrdreg $0x9  }
0xb5: {  	_ =	task.clear_ibuf [dreg:s18], $0x6FFFF;
	_ =	strace $0x9000004C  }
0xb6: {  	s25 =	simm.s32 $0x9;
	_ =	strace $0x8000004E  }
0xb7: {  	_ =	swait.ge [sflag:s25], $0x1  }
0xb8: {  	[sflag:s25] =	ssyncadd.s32 $0xFFFFFFFF  }
0xb9: {  	_ =	strace $0x9000004E  }
0xba: {  	_ =	strace $0x8000004F;
	[dreg:$0x1] =	wrdreg $0xFFFFFFFF  }
0xbb: {  	[dreg:$0x0] =	wrdreg $0x2030  }
0xbc: {  	[dreg:$0x2] =	wrdreg s13  }
0xbd: {  	[dreg:$0x3] =	wrdreg s20  }
0xbe: {  	[dreg:$0x4] =	wrdreg $0xA  }
0xbf: {  	_ =	task.clear_ibuf [dreg:s18], $0x5FFFF;
	_ =	strace $0x9000004F  }
0xc0: {  	s26 =	simm.s32 $0xA;
	_ =	strace $0x80000051  }
0xc1: {  	_ =	swait.ge [sflag:s26], $0x1  }
0xc2: {  	[sflag:s26] =	ssyncadd.s32 $0xFFFFFFFF  }
0xc3: {  	_ =	strace $0x90000051  }
0xc4: {  	_ =	sfence  }
0xc5: {  	s28 =	sld [smem:$0x0];
	_ =	sdelay $0x1  }
0xc6: {  	s29 =	srdreg.scid  }
0xc7: {  	s30 =	sshll.u32 s29, $0xD;
	s31 =	sshrl.u32 s29, $0x2  }
0xc8: {  	s2 =	sand.u32 $0x1, s29;
	s3 =	sand.u32 $0x4000, s30;
	s1 =	sadd.s32 s31, s28  }
0xc9: {  	s2 =	sor.u32 s3, s2;
	s1 =	sshll.u32 s1, $0x11  }
0xca: {  	s1 =	sor.u32 s1, s2  }
0xcb: {  	s1 =	sadd.s32 $0x8F2B, s1  }
0xcc: {  	[sflag:s1] =	ssyncadd.remote.s32 $0x1  }
0xcd: {  	_ =	sfence.sel $0xFFFF  }
0xce: {  	[dreg:$0x0] =	wrdreg $0xFFFFFFFF;
	(pc) =	sbr.abs _section_cstart, $3  }
0xcf: {  	[dreg:$0x1] =	wrdreg $0xFFFFFFFF  }
0xd0: {  	_ =	task.clear_ibuf [dreg:s18], $0x2FFFF;
	_ =	strace $0x9FFFFFFF  }
0xd1: {  	(tm) =	ssettm $0x7FFFFFFF  }
tec
execute0_lowered:
.L_overlay_start_1:
0x0: {  	(tag) =	ssettag $0x1  }
0x1: {  	s0 =	rddreg [dreg:$0x0]  }
0x2: {  	s1 =	rddreg [dreg:$0x1]  }
0x3: {  	s2 =	rddreg [dreg:$0x2]  }
0x4: {  	s3 =	rddreg [dreg:$0x3];
	s4 =	stileid.u32  }
0x5: {  	[bflag:$0x3] =	sbarrier.arrive $0xFFFF;
	s5 =	simm.s32 $_size_execute1_lowered;
	p0 =	sne.s32 s4, $0x0  }
0x6: {  	s5 =	sshll.u32 s5, $0x1;
	s6 =	simm.s32 @!p0 $0x1C3F;
	s7 =	simm.s32 @!p0 $0x4060  }
0x7: {  	[timem:s7], [sflag:s6] =	dma.local @!p0 [hbm:s0], s5  }
0x8: {  	s26 =	simm.s32 $0x1;
	s28 =	simm.s32 $0x2;
	_ =	strace $0x8000004D  }
0x9: {  	s29 =	simm.s32 $0x0;
	s4 =	sshll.u32 s4, $0x4;
	[sflag:s26] =	ssyncpa.u1 $0x0  }
0xa: {  	s8 =	simm.s32 $0x80;
	s1 =	sadd.s32 s4, s1;
	[sflag:s28] =	ssyncpa.u1 $0x0  }
0xb: {  	[tilespmem:s8], [sflag:$0x1] =	stream.linear.gather [hbm4b:s1+s29], $0x80, $0x38;
	[tilespmem:$0x200] =	vst v63  }
0xc: {  	_ =	swait.ge [sflag:s26], $0x80  }
0xd: {  	[sflag:s26] =	ssyncset.done $0x0  }
0xe: {  	[sflag:s26] =	ssyncadd.s32 $0xFFFFFF80  }
0xf: {  	v0 =	vld [tilespmem:$0x80]  }
0x10: {  	v1 =	vld [tilespmem:$0x90]  }
0x11: {  	v2 =	vld [tilespmem:$0xA0]  }
0x12: {  	v3 =	vld [tilespmem:$0xB0]  }
0x13: {  	v4 =	vld [tilespmem:$0xC0]  }
0x14: {  	v61 =	vld [tilespmem:$0xD0];
	[tilespmem:$0x180] =	vst v0  }
0x15: {  	v62 =	vld [tilespmem:$0xE0];
	[tilespmem:$0x190] =	vst v1  }
0x16: {  	v63 =	vld [tilespmem:$0xF0];
	[tilespmem:$0x1A0] =	vst v2  }
0x17: {  	[tilespmem:$0x1B0] =	vst v3  }
0x18: {  	[tilespmem:$0x1C0] =	vst v4  }
0x19: {  	[tilespmem:$0x1D0] =	vst v61  }
0x1a: {  	[tilespmem:$0x1E0] =	vst v62  }
0x1b: {  	s31 =	simm.s32 $0x180;
	s30 =	sadd.s32 s2, s4;
	[tilespmem:$0x1F0] =	vst v63  }
0x1c: {  	[hbm4b:s30+s29] =	stream.linear.scatter [tilespmem:s31], [sflag:$0x2], $0x80, $0x38;
	[tilespmem:$0x200] =	vst v63  }
0x1d: {  	_ =	swait.ge [sflag:s28], $0x80  }
0x1e: {  	[sflag:s28] =	ssyncset.done $0x0  }
0x1f: {  	[sflag:s28] =	ssyncadd.s32 $0xFFFFFF80  }
0x20: {  	_ =	sfence.sel $0x180000  }
0x21: {  	[bflag:$0x0] =	sbarrier.arrive $0xFFFF  }
0x22: {  	[sflag:s26] =	ssyncpa.u1 $0x1  }
0x23: {  	[sflag:s28] =	ssyncpa.u1 $0x1  }
0x24: {  	_ =	strace $0x9000004D  }
0x25: {  	s0 =	sadd.s32 @!p0 $0x100000, s3;
	[bflag:$0x2] =	sbarrier.arrive $0xFFFF  }
0x26: {  	[sflag:s0] =	ssyncadd.tile.s32 @!p0 $0x1;
	s0 =	simm.s32 @!p0 $0x3F  }
0x27: {  	_ =	swait.ge @!p0 [sflag:s0], s5  }
0x28: {  	s1 =	ssub.s32 @!p0 $0x0, s5;
	[sflag:s0] =	ssyncset.done @!p0 $0x0  }
0x29: {  	[sflag:s0] =	ssyncadd.s32 @!p0 s1  }
0x2a: {  	[bflag:$0x3] =	sbarrier.arrive $0xFFFF  }
0x2b: {  	_ =	shalt  }
.Lfunc_end2:
execute1_lowered:
.L_overlay_start_2:
0x2c: {  	(tag) =	ssettag $0x2  }
0x2d: {  	s1 =	rddreg [dreg:$0x0]  }
0x2e: {  	s2 =	rddreg [dreg:$0x1]  }
0x2f: {  	s0 =	rddreg [dreg:$0x2];
	s3 =	stileid.u32  }
0x30: {  	_ =	strace $0x80000050;
	s4 =	simm.s32 $0x3E;
	p0 =	sne.s32 s3, $0x0  }
0x31: {  	[sflag:s4] =	ssyncpa.u1 $0x0;
	s5 =	simm.s32 @!p0 $0x1C3E;
	s6 =	simm.s32 @!p0 $0x0  }
0x32: {  	[spmem:s6], [sflag:s5] =	dma.local @!p0 [hbm:s1], $0x100  }
0x33: {  	s5 =	simm.s32 @!p0 $0x3E  }
0x34: {  	_ =	swait.ge @!p0 [sflag:s5], $0x100  }
0x35: {  	[sflag:s5] =	ssyncset.done @!p0 $0x0  }
0x36: {  	s26 =	simm.s32 $0x1;
	[sflag:s5] =	ssyncadd.s32 @!p0 $0xFFFFFF00  }
0x37: {  	s28 =	simm.s32 $0x2;
	s7 =	simm.s32 $0x370;
	[bflag:$0x0] =	sbarrier.arrive $0xFFFF  }
0x38: {  	s3 =	smul.u32 $0x5E, s3;
	s29 =	sadd.s32 $0x1200, s2;
	[sflag:s4] =	ssyncpa.u1 $0x1  }
0x39: {  	s30 =	sadd.s32 $0x1800, s2;
	s2 =	simm.s32 $0x0;
	[sflag:s26] =	ssyncpa.u1 $0x0  }
0x3a: {  	s5 =	sadd.s32 s29, s3;
	(ifvalue) =	ssetifvalue $0x800;
	[sflag:s28] =	ssyncpa.u1 $0x0  }
0x3b: {  	[tilespmem:s7], [sflag:$0x2] =	stream.linear.gather [hbm4b:s5+s2], $0x2F0, $0x38;
	[tilespmem:$0xC40] =	vst v63  }
0x3c: {  	s31 =	sadd.s32 s30, s3;
	s3 =	simm.s32 $0x950  }
0x3d: {  	[tilespmem:s3], [sflag:$0x2] =	stream.linear.gather [hbm4b:s31+s2], $0x2F0, $0x38;
	[tilespmem:$0xC40] =	vst v63  }
0x3e: {  	_ =	swait.ge [sflag:s28], $0x5E0  }
0x3f: {  	[sflag:s28] =	ssyncset.done $0x0  }
0x40: {  	[sflag:s28] =	ssyncadd.s32 $0xFFFFFA20  }
0x41: {  	v0 =	vld.msk [tilespmem:s7+$0x0 ss:$0x1], $0xffff;
	_ =	sdelay $0x4  }
0x42: {  	v0 =	vmin.u32 v0, $0x800;
	_ =	sdelay $0x3  }
0x43: {  	vm0 =	vmmov $0xffff;
	s4 =	simm.s32 $0x0;
	s5 =	simm.s32 $0x380  }
0x44: {  	[spmem:s2] =	stream.indirect_vreg.scatter.add.s32 [tilespmem:s3], [sflag:$0x1], $0x1, v0, vm0, $0x4038;
	[tilespmem:$0xC40] =	vst v63  }
.LBB3_1:
0x45: {  	v0 =	vld.msk [tilespmem:s5+$0x0 ss:$0x1], $0xffff;
	s4 =	sadd.s32 $0x10, s4  }
0x46: {  	p1 =	slt.u32 s4, $0x2E0;
	_ =	sdelay $0x4  }
0x47: {  	v0 =	vmin.u32 v0, $0x800  }
.Ltmp0:
0x48: {  	(pc) =	sbr.rel @p1 .LBB3_1-.Ltmp0, $3  }
0x49: {  	_ =	sdelay $0x1  }
0x4a: {  	s5 =	sadd.s32 $0x10, s5;
	s3 =	sadd.s32 $0x10, s3  }
0x4b: {  	[spmem:s2] =	stream.indirect_vreg.scatter.add.s32 [tilespmem:s3], [sflag:$0x1], $0x1, v0, vm0, $0x4038;
	[tilespmem:$0xC40] =	vst v63  }
0x4c: {  	s2 =	simm.s32 $0x1  }
0x4d: {  	_ =	swait.ge [sflag:s2], $0x2F0  }
0x4e: {  	[sflag:s2] =	ssyncset.done $0x0  }
0x4f: {  	[sflag:s2] =	ssyncadd.s32 $0xFFFFFD10  }
0x50: {  	_ =	sfence.sel $0x180000  }
0x51: {  	s3 =	simm.s32 $0x2;
	[bflag:$0x0] =	sbarrier.arrive $0xFFFF  }
0x52: {  	[sflag:s3] =	ssyncpa.u1 $0x1  }
0x53: {  	[sflag:s2] =	ssyncpa.u1 $0x1  }
0x54: {  	_ =	sfence.stream.spmem  }
0x55: {  	s31 =	simm.s32 $0x3D;
	[bflag:$0x0] =	sbarrier.arrive $0xFFFF  }
0x56: {  	s2 =	simm.s32 @p0 $0x3D;
	[sflag:s31] =	ssyncpa.u1 $0x0  }
0x57: {  	[sflag:s2] =	ssyncpa.u1 @p0 $0x1  }
0x58: {  	[bflag:$0x0] =	sbarrier.arrive @p0 $0xFFFF  }
0x59: {  	_ =	strace @p0 $0x90000050  }
0x5a: {  	s3 =	simm.s32 @!p0 $0x1C3D;
	s2 =	simm.s32 @!p0 $0x0;
	[bflag:$0x2] =	sbarrier.arrive @p0 $0xFFFF  }
0x5b: {  	[hbm:s1], [sflag:s3] =	dma.local @!p0 [spmem:s2], $0x100  }
0x5c: {  	s1 =	simm.s32 @!p0 $0x3D  }
0x5d: {  	_ =	swait.ge @!p0 [sflag:s1], $0x100  }
0x5e: {  	[sflag:s1] =	ssyncset.done @!p0 $0x0  }
0x5f: {  	[sflag:s1] =	ssyncadd.s32 @!p0 $0xFFFFFF00  }
0x60: {  	[sflag:s1] =	ssyncpa.u1 @!p0 $0x1  }
0x61: {  	[bflag:$0x0] =	sbarrier.arrive @!p0 $0xFFFF  }
0x62: {  	_ =	strace @!p0 $0x90000050  }
0x63: {  	s0 =	sadd.s32 @!p0 $0x100000, s0;
	[bflag:$0x2] =	sbarrier.arrive @!p0 $0xFFFF  }
0x64: {  	[sflag:s0] =	ssyncadd.tile.s32 @!p0 $0x1;
	_ =	shalt  }
.Lfunc_end3:
_tile_overlayer_lowered:
.L_overlay_start_3:
0x65: {  	(tag) =	ssettag $0x3  }
0x66: {  	s0 =	rddreg [dreg:$0x0];
	s2 =	stileid.u32  }
0x67: {  	s1 =	rddreg [dreg:$0x1];
	p0 =	sne.s32 s2, $0x0  }
0x68: {  	s3 =	rddreg [dreg:$0x2];
	[bflag:$0x3] =	sbarrier.arrive $0xFFFF;
	s2 =	simm.s32 @!p0 $0x1C01  }
0x69: {  	[timem:s3], [sflag:s2] =	dma.local @!p0 [hbm:s0], s1  }
0x6a: {  	s0 =	simm.s32 @!p0 $0x1  }
0x6b: {  	_ =	swait.ge @!p0 [sflag:s0], s1  }
0x6c: {  	s1 =	ssub.s32 @!p0 $0x0, s1;
	[sflag:s0] =	ssyncset.done @!p0 $0x0  }
0x6d: {  	[sflag:s0] =	ssyncadd.s32 @!p0 s1  }
0x6e: {  	[bflag:$0x3] =	sbarrier.arrive $0xFFFF  }
0x6f: {  	_ =	shalt  }

</sc_bundles>
